<compile_context>
chip_gen: v7x
topology: tpu7x:2x2x1
jax: 0.10.2.dev20260603
libtpu: 0.0.44.dev20260713+nightly
codegen_flags: <defaults>
</compile_context>

<pallas_src>
import functools

import jax
import jax.numpy as jnp
from jax import lax
from jax.experimental import pallas as pl
from jax.experimental.pallas import tpu as pltpu, tpu_sc as plsc

N_EMB = 16
N_VXG = 1000000
B = 16384
L = 200
N = B * L

NC, NS = 2, 16
NW = NC * NS
PER_W = N // NW
CHUNK = 2048
CHUNKS = PER_W // CHUNK
GROUPS = CHUNK // 16
IDX_ROWS = CHUNK // 128

_mesh = plsc.VectorSubcoreMesh(core_axis_name="c", subcore_axis_name="s")


def _body(emb_hbm, ixs_hbm, wb_hbm, eff_hbm, out_hbm,
          emb_v, idx_v, val_v, out_v, wb_v, gsem):
    wid = lax.axis_index("c") * NS + lax.axis_index("s")

    pltpu.sync_copy(wb_hbm, wb_v)

    def chunk_body(g, carry):
        row_base = pl.multiple_of(wid * PER_W + g * CHUNK, CHUNK)
        pltpu.sync_copy(emb_hbm.at[pl.ds(pl.multiple_of(row_base * N_EMB, 8),
                                         CHUNK * N_EMB)],
                        emb_v)
        pltpu.sync_copy(ixs_hbm.at[pl.ds(pl.multiple_of(row_base // 128, 8),
                                         IDX_ROWS)], idx_v)
        cps = [pltpu.async_copy(eff_hbm.at[idx_v.at[j]],
                                val_v.at[pl.ds(j * 128, 128)], gsem)
               for j in range(IDX_ROWS)]
        for cp in cps:
            cp.wait()

        def grp(i, c):
            base = i * (16 * N_EMB)
            lane16 = lax.iota(jnp.int32, 16) * 16
            bias = plsc.load_gather(wb_v, [jnp.full((16,), N_EMB, jnp.int32)])

            def kbody(kk, a):
                k4 = kk * 4
                for dk in range(4):
                    vals = plsc.load_gather(emb_v,
                                            [lane16 + (base + k4 + dk)])
                    wk = plsc.load_gather(
                        wb_v, [jnp.zeros((16,), jnp.int32) + (k4 + dk)])
                    a = a + vals * wk
                return a

            acc = lax.fori_loop(0, N_EMB // 4, kbody, bias)
            out_v[pl.ds(i * 16, 16)] = val_v[pl.ds(i * 16, 16)] * jnp.exp(acc)
            return c

        lax.fori_loop(0, GROUPS, grp, 0)
        pltpu.sync_copy(out_v, out_hbm.at[pl.ds(row_base, CHUNK)])
        return carry

    lax.fori_loop(0, CHUNKS, chunk_body, 0)


_sc_call = pl.kernel(
    _body,
    out_type=jax.ShapeDtypeStruct((N,), jnp.float32),
    mesh=_mesh,
    compiler_params=pltpu.CompilerParams(needs_layout_passes=False),
    scratch_types=[
        pltpu.VMEM((CHUNK * N_EMB,), jnp.float32),
        pltpu.VMEM((IDX_ROWS, 128), jnp.int32),
        pltpu.VMEM((CHUNK,), jnp.float32),
        pltpu.VMEM((CHUNK,), jnp.float32),
        pltpu.VMEM((128,), jnp.float32),
        pltpu.SemaphoreType.DMA,
    ],
)


def kernel(variantxgene_embedding, variantxgene_ixs, W, b, variantxgene_effect):
    emb_flat = variantxgene_embedding.reshape(N * N_EMB)
    ixs2 = variantxgene_ixs.reshape(N // 128, 128).astype(jnp.int32)
    wb = jnp.concatenate([W.reshape(N_EMB), b.reshape(1),
                          jnp.zeros(111, jnp.float32)])
    out_flat = _sc_call(emb_flat, ixs2, wb, variantxgene_effect)
    return out_flat.reshape(B, L)

# --- scband reference (transcript-rebuilt; emitter-appended) ---
"""Pipeline reference for scband-effect-predictor-linear-16673063043582 (READ-ONLY COPY).

The authoritative reference and input builder live on the scoring server;
editing this copy changes nothing except your own understanding.
"""

import jax, jax.numpy as jnp
import numpy as np

N_EMB = 16
N_VXG = 1000000
B = 16384
L = 200


def setup_inputs(seed: int = 0) -> dict:
    key = jax.random.key(seed)
    k1, k2, k3, k4, k5 = jax.random.split(key, 5)
    variantxgene_embedding = jax.random.normal(k1, (B, L, N_EMB), dtype=jnp.float32)
    variantxgene_ixs = jax.random.randint(k2, (B, L), 0, N_VXG, dtype=jnp.int64 if jax.config.jax_enable_x64 else jnp.int32)
    # learned parameters (module zero-inits; use small random values for nontrivial numerics)
    W = jax.random.normal(k3, (1, N_EMB), dtype=jnp.float32) * 0.02
    b = jax.random.normal(k4, (1,), dtype=jnp.float32) * 0.02
    variantxgene_effect = jax.random.normal(k5, (N_VXG,), dtype=jnp.float32) * 0.02
    return {
        "variantxgene_embedding": variantxgene_embedding,
        "variantxgene_ixs": variantxgene_ixs,
        "W": W,
        "b": b,
        "variantxgene_effect": variantxgene_effect,
    }


def reference(variantxgene_embedding, variantxgene_ixs, W, b, variantxgene_effect):
    # prioritization = exp(Linear(emb).squeeze(-1))
    logits = jnp.einsum('blk,ok->blo', variantxgene_embedding, W) + b  # [B, L, 1]
    prioritization = jnp.exp(jnp.squeeze(logits, -1))  # [B, L]
    # effect = variantxgene_effect[ixs] * prioritization  (gather over 1M-row table)
    effect = jnp.take(variantxgene_effect, variantxgene_ixs, axis=0) * prioritization
    return effect

if __name__ == "__main__":
    import jax
    _d = setup_inputs()
    print(jax.jit(kernel)(*tuple(_d.values())))

</pallas_src>

<mosaic_0001>
#map = affine_map<(d0, d1) -> (0)>
#map1 = affine_map<(d0, d1) -> (0, 0)>
module attributes {stable_mosaic.version = 14 : i64} {
  func.func @_body(%arg0: i32, %arg1: i32, %arg2: memref<52428800xf32, #tpu.memory_space<hbm>>, %arg3: memref<25600x128xi32, #tpu.memory_space<hbm>>, %arg4: memref<128xf32, #tpu.memory_space<hbm>>, %arg5: memref<1000000xf32, #tpu.memory_space<hbm>>, %arg6: memref<3276800xf32, #tpu.memory_space<hbm>>, %arg7: memref<32768xf32, #tpu.memory_space<vmem>>, %arg8: memref<16x128xi32, #tpu.memory_space<vmem>>, %arg9: memref<2048xf32, #tpu.memory_space<vmem>>, %arg10: memref<2048xf32, #tpu.memory_space<vmem>>, %arg11: memref<128xf32, #tpu.memory_space<vmem>>, %arg12: memref<!tpu.dma_semaphore, #tpu.memory_space<semaphore_mem>>) attributes {dimension_semantics = [#tpu.dimension_semantics<core_parallel>, #tpu.dimension_semantics<subcore_parallel>], iteration_bounds = array<i64: 2, 16>, scalar_prefetch = 0 : i64, scratch_operands = 6 : i64, tpu.core_type = #tpu.core_type<sc_vector_subcore>, window_params = [{transform_indices = #map}, {transform_indices = #map1}, {transform_indices = #map}, {transform_indices = #map}, {transform_indices = #map}]} {
    %mul3A = arith.constant 16 : i32
    %mul3A_0 = arith.muli %arg0, %mul3A : i32
    %add3A = arith.addi %mul3A_0, %arg1 : i32
    "tpu.region"() ({
      %run_scoped3A = tpu.sem_alloc : memref<!tpu.dma_semaphore, #tpu.memory_space<semaphore_mem>>
      tpu.enqueue_dma source(%arg4 : memref<128xf32, #tpu.memory_space<hbm>>) target(%arg11 : memref<128xf32, #tpu.memory_space<vmem>>) target_semaphore(%run_scoped3A : memref<!tpu.dma_semaphore, #tpu.memory_space<semaphore_mem>>)
      tpu.wait_dma2 semaphore(%run_scoped3A : memref<!tpu.dma_semaphore, #tpu.memory_space<semaphore_mem>>) src(%arg4 : memref<128xf32, #tpu.memory_space<hbm>>) dst(%arg11 : memref<128xf32, #tpu.memory_space<vmem>>)
      tpu.yield
    }) : () -> ()
    %scan3A = arith.constant 0 : i32
    %scan3A_1 = arith.constant 0 : i32
    %scan3A_2 = arith.constant 50 : i32
    %scan3A_3 = arith.addi %scan3A_1, %scan3A_2 : i32
    %scan3A_4 = arith.constant 1 : i32
    scf.for %scan3A_6 = %scan3A_1 to %scan3A_3 step %scan3A_4  : i32 {
      %mul3A_7 = arith.constant 102400 : i32
      %mul3A_8 = arith.muli %add3A, %mul3A_7 : i32
      %mul3A_9 = arith.constant 2048 : i32
      %mul3A_10 = arith.muli %scan3A_6, %mul3A_9 : i32
      %add3A_11 = arith.addi %mul3A_8, %mul3A_10 : i32
      %multiple_of3A = tpu.assume_multiple %add3A_11, 2048 : i32
      %mul3A_12 = arith.constant 16 : i32
      %mul3A_13 = arith.muli %multiple_of3A, %mul3A_12 : i32
      %multiple_of3A_14 = tpu.assume_multiple %mul3A_13, 8 : i32
      "tpu.region"() ({
        %run_scoped3A = tpu.sem_alloc : memref<!tpu.dma_semaphore, #tpu.memory_space<semaphore_mem>>
        %dma_start3A_292 = tpu.memref_slice %arg2[%multiple_of3A_14] : memref<52428800xf32, #tpu.memory_space<hbm>> -> memref<32768xf32, #tpu.memory_space<hbm>>
        %dma_start3A_293 = tpu.memref_slice %arg2[%multiple_of3A_14] : memref<52428800xf32, #tpu.memory_space<hbm>> -> memref<32768xf32, #tpu.memory_space<hbm>>
        tpu.enqueue_dma source(%dma_start3A_293 : memref<32768xf32, #tpu.memory_space<hbm>>) target(%arg7 : memref<32768xf32, #tpu.memory_space<vmem>>) target_semaphore(%run_scoped3A : memref<!tpu.dma_semaphore, #tpu.memory_space<semaphore_mem>>)
        %dma_wait3A_294 = tpu.memref_slice %arg2[%multiple_of3A_14] : memref<52428800xf32, #tpu.memory_space<hbm>> -> memref<32768xf32, #tpu.memory_space<hbm>>
        %dma_wait3A_295 = tpu.memref_slice %arg2[%multiple_of3A_14] : memref<52428800xf32, #tpu.memory_space<hbm>> -> memref<32768xf32, #tpu.memory_space<hbm>>
        tpu.wait_dma2 semaphore(%run_scoped3A : memref<!tpu.dma_semaphore, #tpu.memory_space<semaphore_mem>>) src(%dma_wait3A_295 : memref<32768xf32, #tpu.memory_space<hbm>>) dst(%arg7 : memref<32768xf32, #tpu.memory_space<vmem>>)
        tpu.yield
      }) : () -> ()
      %jit3A = arith.constant 128 : i32
      %div3A = arith.divsi %multiple_of3A, %jit3A : i32
      %sign3A = arith.constant 0 : i32
      %sign3A_15 = arith.cmpi sgt, %multiple_of3A, %sign3A : i32
      %sign3A_16 = arith.extui %sign3A_15 : i1 to i32
      %sign3A_17 = arith.constant 0 : i32
      %sign3A_18 = arith.cmpi slt, %multiple_of3A, %sign3A_17 : i32
      %sign3A_19 = arith.extui %sign3A_18 : i1 to i32
      %sign3A_20 = arith.subi %sign3A_16, %sign3A_19 : i32
      %sign3A_21 = arith.constant 0 : i32
      %sign3A_22 = arith.cmpi sgt, %jit3A, %sign3A_21 : i32
      %sign3A_23 = arith.extui %sign3A_22 : i1 to i32
      %sign3A_24 = arith.constant 0 : i32
      %sign3A_25 = arith.cmpi slt, %jit3A, %sign3A_24 : i32
      %sign3A_26 = arith.extui %sign3A_25 : i1 to i32
      %sign3A_27 = arith.subi %sign3A_23, %sign3A_26 : i32
      %ne3A = arith.cmpi ne, %sign3A_20, %sign3A_27 : i32
      %rem3A = arith.remsi %multiple_of3A, %jit3A : i32
      %ne3A_28 = arith.constant 0 : i32
      %ne3A_29 = arith.cmpi ne, %rem3A, %ne3A_28 : i32
      %and3A = arith.andi %ne3A, %ne3A_29 : i1
      %sub3A = arith.constant 1 : i32
      %sub3A_30 = arith.subi %div3A, %sub3A : i32
      %select_n3A = arith.select %and3A, %sub3A_30, %div3A : i32
      %multiple_of3A_31 = tpu.assume_multiple %select_n3A, 8 : i32
      "tpu.region"() ({
        %run_scoped3A = tpu.sem_alloc : memref<!tpu.dma_semaphore, #tpu.memory_space<semaphore_mem>>
        %dma_start3A_292 = arith.constant 0 : i32
        %dma_start3A_293 = tpu.memref_slice %arg3[%multiple_of3A_31, %dma_start3A_292] : memref<25600x128xi32, #tpu.memory_space<hbm>> -> memref<16x128xi32, #tpu.memory_space<hbm>>
        %dma_start3A_294 = arith.constant 0 : i32
        %dma_start3A_295 = tpu.memref_slice %arg3[%multiple_of3A_31, %dma_start3A_294] : memref<25600x128xi32, #tpu.memory_space<hbm>> -> memref<16x128xi32, #tpu.memory_space<hbm>>
        tpu.enqueue_dma source(%dma_start3A_295 : memref<16x128xi32, #tpu.memory_space<hbm>>) target(%arg8 : memref<16x128xi32, #tpu.memory_space<vmem>>) target_semaphore(%run_scoped3A : memref<!tpu.dma_semaphore, #tpu.memory_space<semaphore_mem>>)
        %dma_wait3A_296 = arith.constant 0 : i32
        %dma_wait3A_297 = tpu.memref_slice %arg3[%multiple_of3A_31, %dma_wait3A_296] : memref<25600x128xi32, #tpu.memory_space<hbm>> -> memref<16x128xi32, #tpu.memory_space<hbm>>
        %dma_wait3A_298 = arith.constant 0 : i32
        %dma_wait3A_299 = tpu.memref_slice %arg3[%multiple_of3A_31, %dma_wait3A_298] : memref<25600x128xi32, #tpu.memory_space<hbm>> -> memref<16x128xi32, #tpu.memory_space<hbm>>
        tpu.wait_dma2 semaphore(%run_scoped3A : memref<!tpu.dma_semaphore, #tpu.memory_space<semaphore_mem>>) src(%dma_wait3A_299 : memref<16x128xi32, #tpu.memory_space<hbm>>) dst(%arg8 : memref<16x128xi32, #tpu.memory_space<vmem>>)
        tpu.yield
      }) : () -> ()
      %dma_start3A = arith.constant 0 : i32
      %dma_start3A_32 = arith.constant 0 : i32
      %dma_start3A_33 = tpu.memref_slice %arg9[%dma_start3A_32] : memref<2048xf32, #tpu.memory_space<vmem>> -> memref<128xf32, #tpu.memory_space<vmem>>
      %dma_start3A_34 = arith.constant 0 : i32
      %dma_start3A_35 = tpu.memref_slice %arg8[%dma_start3A, %dma_start3A_34] : memref<16x128xi32, #tpu.memory_space<vmem>> -> memref<1x128xi32, #tpu.memory_space<vmem>>
      %dma_start3A_36 = tpu.memref_squeeze %dma_start3A_35 : memref<1x128xi32, #tpu.memory_space<vmem>> -> memref<128xi32, #tpu.memory_space<vmem>>
      %dma_start3A_37 = arith.constant 0 : i32
      %dma_start3A_38 = tpu.memref_slice %arg5[%dma_start3A_37] : memref<1000000xf32, #tpu.memory_space<hbm>> -> memref<1000000xf32, #tpu.memory_space<hbm>>
      tpu.enqueue_indirect_dma source(%dma_start3A_38 : memref<1000000xf32, #tpu.memory_space<hbm>>) target(%dma_start3A_33 : memref<128xf32, #tpu.memory_space<vmem>>) offsets(%dma_start3A_36 : memref<128xi32, #tpu.memory_space<vmem>>) semaphore(%arg12 : memref<!tpu.dma_semaphore, #tpu.memory_space<semaphore_mem>>)
      %dma_start3A_39 = arith.constant 1 : i32
      %dma_start3A_40 = arith.constant 128 : i32
      %dma_start3A_41 = tpu.memref_slice %arg9[%dma_start3A_40] : memref<2048xf32, #tpu.memory_space<vmem>> -> memref<128xf32, #tpu.memory_space<vmem>>
      %dma_start3A_42 = arith.constant 0 : i32
      %dma_start3A_43 = tpu.memref_slice %arg8[%dma_start3A_39, %dma_start3A_42] : memref<16x128xi32, #tpu.memory_space<vmem>> -> memref<1x128xi32, #tpu.memory_space<vmem>>
      %dma_start3A_44 = tpu.memref_squeeze %dma_start3A_43 : memref<1x128xi32, #tpu.memory_space<vmem>> -> memref<128xi32, #tpu.memory_space<vmem>>
      %dma_start3A_45 = arith.constant 0 : i32
      %dma_start3A_46 = tpu.memref_slice %arg5[%dma_start3A_45] : memref<1000000xf32, #tpu.memory_space<hbm>> -> memref<1000000xf32, #tpu.memory_space<hbm>>
      tpu.enqueue_indirect_dma source(%dma_start3A_46 : memref<1000000xf32, #tpu.memory_space<hbm>>) target(%dma_start3A_41 : memref<128xf32, #tpu.memory_space<vmem>>) offsets(%dma_start3A_44 : memref<128xi32, #tpu.memory_space<vmem>>) semaphore(%arg12 : memref<!tpu.dma_semaphore, #tpu.memory_space<semaphore_mem>>)
      %dma_start3A_47 = arith.constant 2 : i32
      %dma_start3A_48 = arith.constant 256 : i32
      %dma_start3A_49 = tpu.memref_slice %arg9[%dma_start3A_48] : memref<2048xf32, #tpu.memory_space<vmem>> -> memref<128xf32, #tpu.memory_space<vmem>>
      %dma_start3A_50 = arith.constant 0 : i32
      %dma_start3A_51 = tpu.memref_slice %arg8[%dma_start3A_47, %dma_start3A_50] : memref<16x128xi32, #tpu.memory_space<vmem>> -> memref<1x128xi32, #tpu.memory_space<vmem>>
      %dma_start3A_52 = tpu.memref_squeeze %dma_start3A_51 : memref<1x128xi32, #tpu.memory_space<vmem>> -> memref<128xi32, #tpu.memory_space<vmem>>
      %dma_start3A_53 = arith.constant 0 : i32
      %dma_start3A_54 = tpu.memref_slice %arg5[%dma_start3A_53] : memref<1000000xf32, #tpu.memory_space<hbm>> -> memref<1000000xf32, #tpu.memory_space<hbm>>
      tpu.enqueue_indirect_dma source(%dma_start3A_54 : memref<1000000xf32, #tpu.memory_space<hbm>>) target(%dma_start3A_49 : memref<128xf32, #tpu.memory_space<vmem>>) offsets(%dma_start3A_52 : memref<128xi32, #tpu.memory_space<vmem>>) semaphore(%arg12 : memref<!tpu.dma_semaphore, #tpu.memory_space<semaphore_mem>>)
      %dma_start3A_55 = arith.constant 3 : i32
      %dma_start3A_56 = arith.constant 384 : i32
      %dma_start3A_57 = tpu.memref_slice %arg9[%dma_start3A_56] : memref<2048xf32, #tpu.memory_space<vmem>> -> memref<128xf32, #tpu.memory_space<vmem>>
      %dma_start3A_58 = arith.constant 0 : i32
      %dma_start3A_59 = tpu.memref_slice %arg8[%dma_start3A_55, %dma_start3A_58] : memref<16x128xi32, #tpu.memory_space<vmem>> -> memref<1x128xi32, #tpu.memory_space<vmem>>
      %dma_start3A_60 = tpu.memref_squeeze %dma_start3A_59 : memref<1x128xi32, #tpu.memory_space<vmem>> -> memref<128xi32, #tpu.memory_space<vmem>>
      %dma_start3A_61 = arith.constant 0 : i32
      %dma_start3A_62 = tpu.memref_slice %arg5[%dma_start3A_61] : memref<1000000xf32, #tpu.memory_space<hbm>> -> memref<1000000xf32, #tpu.memory_space<hbm>>
      tpu.enqueue_indirect_dma source(%dma_start3A_62 : memref<1000000xf32, #tpu.memory_space<hbm>>) target(%dma_start3A_57 : memref<128xf32, #tpu.memory_space<vmem>>) offsets(%dma_start3A_60 : memref<128xi32, #tpu.memory_space<vmem>>) semaphore(%arg12 : memref<!tpu.dma_semaphore, #tpu.memory_space<semaphore_mem>>)
      %dma_start3A_63 = arith.constant 4 : i32
      %dma_start3A_64 = arith.constant 512 : i32
      %dma_start3A_65 = tpu.memref_slice %arg9[%dma_start3A_64] : memref<2048xf32, #tpu.memory_space<vmem>> -> memref<128xf32, #tpu.memory_space<vmem>>
      %dma_start3A_66 = arith.constant 0 : i32
      %dma_start3A_67 = tpu.memref_slice %arg8[%dma_start3A_63, %dma_start3A_66] : memref<16x128xi32, #tpu.memory_space<vmem>> -> memref<1x128xi32, #tpu.memory_space<vmem>>
      %dma_start3A_68 = tpu.memref_squeeze %dma_start3A_67 : memref<1x128xi32, #tpu.memory_space<vmem>> -> memref<128xi32, #tpu.memory_space<vmem>>
      %dma_start3A_69 = arith.constant 0 : i32
      %dma_start3A_70 = tpu.memref_slice %arg5[%dma_start3A_69] : memref<1000000xf32, #tpu.memory_space<hbm>> -> memref<1000000xf32, #tpu.memory_space<hbm>>
      tpu.enqueue_indirect_dma source(%dma_start3A_70 : memref<1000000xf32, #tpu.memory_space<hbm>>) target(%dma_start3A_65 : memref<128xf32, #tpu.memory_space<vmem>>) offsets(%dma_start3A_68 : memref<128xi32, #tpu.memory_space<vmem>>) semaphore(%arg12 : memref<!tpu.dma_semaphore, #tpu.memory_space<semaphore_mem>>)
      %dma_start3A_71 = arith.constant 5 : i32
      %dma_start3A_72 = arith.constant 640 : i32
      %dma_start3A_73 = tpu.memref_slice %arg9[%dma_start3A_72] : memref<2048xf32, #tpu.memory_space<vmem>> -> memref<128xf32, #tpu.memory_space<vmem>>
      %dma_start3A_74 = arith.constant 0 : i32
      %dma_start3A_75 = tpu.memref_slice %arg8[%dma_start3A_71, %dma_start3A_74] : memref<16x128xi32, #tpu.memory_space<vmem>> -> memref<1x128xi32, #tpu.memory_space<vmem>>
      %dma_start3A_76 = tpu.memref_squeeze %dma_start3A_75 : memref<1x128xi32, #tpu.memory_space<vmem>> -> memref<128xi32, #tpu.memory_space<vmem>>
      %dma_start3A_77 = arith.constant 0 : i32
      %dma_start3A_78 = tpu.memref_slice %arg5[%dma_start3A_77] : memref<1000000xf32, #tpu.memory_space<hbm>> -> memref<1000000xf32, #tpu.memory_space<hbm>>
      tpu.enqueue_indirect_dma source(%dma_start3A_78 : memref<1000000xf32, #tpu.memory_space<hbm>>) target(%dma_start3A_73 : memref<128xf32, #tpu.memory_space<vmem>>) offsets(%dma_start3A_76 : memref<128xi32, #tpu.memory_space<vmem>>) semaphore(%arg12 : memref<!tpu.dma_semaphore, #tpu.memory_space<semaphore_mem>>)
      %dma_start3A_79 = arith.constant 6 : i32
      %dma_start3A_80 = arith.constant 768 : i32
      %dma_start3A_81 = tpu.memref_slice %arg9[%dma_start3A_80] : memref<2048xf32, #tpu.memory_space<vmem>> -> memref<128xf32, #tpu.memory_space<vmem>>
      %dma_start3A_82 = arith.constant 0 : i32
      %dma_start3A_83 = tpu.memref_slice %arg8[%dma_start3A_79, %dma_start3A_82] : memref<16x128xi32, #tpu.memory_space<vmem>> -> memref<1x128xi32, #tpu.memory_space<vmem>>
      %dma_start3A_84 = tpu.memref_squeeze %dma_start3A_83 : memref<1x128xi32, #tpu.memory_space<vmem>> -> memref<128xi32, #tpu.memory_space<vmem>>
      %dma_start3A_85 = arith.constant 0 : i32
      %dma_start3A_86 = tpu.memref_slice %arg5[%dma_start3A_85] : memref<1000000xf32, #tpu.memory_space<hbm>> -> memref<1000000xf32, #tpu.memory_space<hbm>>
      tpu.enqueue_indirect_dma source(%dma_start3A_86 : memref<1000000xf32, #tpu.memory_space<hbm>>) target(%dma_start3A_81 : memref<128xf32, #tpu.memory_space<vmem>>) offsets(%dma_start3A_84 : memref<128xi32, #tpu.memory_space<vmem>>) semaphore(%arg12 : memref<!tpu.dma_semaphore, #tpu.memory_space<semaphore_mem>>)
      %dma_start3A_87 = arith.constant 7 : i32
      %dma_start3A_88 = arith.constant 896 : i32
      %dma_start3A_89 = tpu.memref_slice %arg9[%dma_start3A_88] : memref<2048xf32, #tpu.memory_space<vmem>> -> memref<128xf32, #tpu.memory_space<vmem>>
      %dma_start3A_90 = arith.constant 0 : i32
      %dma_start3A_91 = tpu.memref_slice %arg8[%dma_start3A_87, %dma_start3A_90] : memref<16x128xi32, #tpu.memory_space<vmem>> -> memref<1x128xi32, #tpu.memory_space<vmem>>
      %dma_start3A_92 = tpu.memref_squeeze %dma_start3A_91 : memref<1x128xi32, #tpu.memory_space<vmem>> -> memref<128xi32, #tpu.memory_space<vmem>>
      %dma_start3A_93 = arith.constant 0 : i32
      %dma_start3A_94 = tpu.memref_slice %arg5[%dma_start3A_93] : memref<1000000xf32, #tpu.memory_space<hbm>> -> memref<1000000xf32, #tpu.memory_space<hbm>>
      tpu.enqueue_indirect_dma source(%dma_start3A_94 : memref<1000000xf32, #tpu.memory_space<hbm>>) target(%dma_start3A_89 : memref<128xf32, #tpu.memory_space<vmem>>) offsets(%dma_start3A_92 : memref<128xi32, #tpu.memory_space<vmem>>) semaphore(%arg12 : memref<!tpu.dma_semaphore, #tpu.memory_space<semaphore_mem>>)
      %dma_start3A_95 = arith.constant 8 : i32
      %dma_start3A_96 = arith.constant 1024 : i32
      %dma_start3A_97 = tpu.memref_slice %arg9[%dma_start3A_96] : memref<2048xf32, #tpu.memory_space<vmem>> -> memref<128xf32, #tpu.memory_space<vmem>>
      %dma_start3A_98 = arith.constant 0 : i32
      %dma_start3A_99 = tpu.memref_slice %arg8[%dma_start3A_95, %dma_start3A_98] : memref<16x128xi32, #tpu.memory_space<vmem>> -> memref<1x128xi32, #tpu.memory_space<vmem>>
      %dma_start3A_100 = tpu.memref_squeeze %dma_start3A_99 : memref<1x128xi32, #tpu.memory_space<vmem>> -> memref<128xi32, #tpu.memory_space<vmem>>
      %dma_start3A_101 = arith.constant 0 : i32
      %dma_start3A_102 = tpu.memref_slice %arg5[%dma_start3A_101] : memref<1000000xf32, #tpu.memory_space<hbm>> -> memref<1000000xf32, #tpu.memory_space<hbm>>
      tpu.enqueue_indirect_dma source(%dma_start3A_102 : memref<1000000xf32, #tpu.memory_space<hbm>>) target(%dma_start3A_97 : memref<128xf32, #tpu.memory_space<vmem>>) offsets(%dma_start3A_100 : memref<128xi32, #tpu.memory_space<vmem>>) semaphore(%arg12 : memref<!tpu.dma_semaphore, #tpu.memory_space<semaphore_mem>>)
      %dma_start3A_103 = arith.constant 9 : i32
      %dma_start3A_104 = arith.constant 1152 : i32
      %dma_start3A_105 = tpu.memref_slice %arg9[%dma_start3A_104] : memref<2048xf32, #tpu.memory_space<vmem>> -> memref<128xf32, #tpu.memory_space<vmem>>
      %dma_start3A_106 = arith.constant 0 : i32
      %dma_start3A_107 = tpu.memref_slice %arg8[%dma_start3A_103, %dma_start3A_106] : memref<16x128xi32, #tpu.memory_space<vmem>> -> memref<1x128xi32, #tpu.memory_space<vmem>>
      %dma_start3A_108 = tpu.memref_squeeze %dma_start3A_107 : memref<1x128xi32, #tpu.memory_space<vmem>> -> memref<128xi32, #tpu.memory_space<vmem>>
      %dma_start3A_109 = arith.constant 0 : i32
      %dma_start3A_110 = tpu.memref_slice %arg5[%dma_start3A_109] : memref<1000000xf32, #tpu.memory_space<hbm>> -> memref<1000000xf32, #tpu.memory_space<hbm>>
      tpu.enqueue_indirect_dma source(%dma_start3A_110 : memref<1000000xf32, #tpu.memory_space<hbm>>) target(%dma_start3A_105 : memref<128xf32, #tpu.memory_space<vmem>>) offsets(%dma_start3A_108 : memref<128xi32, #tpu.memory_space<vmem>>) semaphore(%arg12 : memref<!tpu.dma_semaphore, #tpu.memory_space<semaphore_mem>>)
      %dma_start3A_111 = arith.constant 10 : i32
      %dma_start3A_112 = arith.constant 1280 : i32
      %dma_start3A_113 = tpu.memref_slice %arg9[%dma_start3A_112] : memref<2048xf32, #tpu.memory_space<vmem>> -> memref<128xf32, #tpu.memory_space<vmem>>
      %dma_start3A_114 = arith.constant 0 : i32
      %dma_start3A_115 = tpu.memref_slice %arg8[%dma_start3A_111, %dma_start3A_114] : memref<16x128xi32, #tpu.memory_space<vmem>> -> memref<1x128xi32, #tpu.memory_space<vmem>>
      %dma_start3A_116 = tpu.memref_squeeze %dma_start3A_115 : memref<1x128xi32, #tpu.memory_space<vmem>> -> memref<128xi32, #tpu.memory_space<vmem>>
      %dma_start3A_117 = arith.constant 0 : i32
      %dma_start3A_118 = tpu.memref_slice %arg5[%dma_start3A_117] : memref<1000000xf32, #tpu.memory_space<hbm>> -> memref<1000000xf32, #tpu.memory_space<hbm>>
      tpu.enqueue_indirect_dma source(%dma_start3A_118 : memref<1000000xf32, #tpu.memory_space<hbm>>) target(%dma_start3A_113 : memref<128xf32, #tpu.memory_space<vmem>>) offsets(%dma_start3A_116 : memref<128xi32, #tpu.memory_space<vmem>>) semaphore(%arg12 : memref<!tpu.dma_semaphore, #tpu.memory_space<semaphore_mem>>)
      %dma_start3A_119 = arith.constant 11 : i32
      %dma_start3A_120 = arith.constant 1408 : i32
      %dma_start3A_121 = tpu.memref_slice %arg9[%dma_start3A_120] : memref<2048xf32, #tpu.memory_space<vmem>> -> memref<128xf32, #tpu.memory_space<vmem>>
      %dma_start3A_122 = arith.constant 0 : i32
      %dma_start3A_123 = tpu.memref_slice %arg8[%dma_start3A_119, %dma_start3A_122] : memref<16x128xi32, #tpu.memory_space<vmem>> -> memref<1x128xi32, #tpu.memory_space<vmem>>
      %dma_start3A_124 = tpu.memref_squeeze %dma_start3A_123 : memref<1x128xi32, #tpu.memory_space<vmem>> -> memref<128xi32, #tpu.memory_space<vmem>>
      %dma_start3A_125 = arith.constant 0 : i32
      %dma_start3A_126 = tpu.memref_slice %arg5[%dma_start3A_125] : memref<1000000xf32, #tpu.memory_space<hbm>> -> memref<1000000xf32, #tpu.memory_space<hbm>>
      tpu.enqueue_indirect_dma source(%dma_start3A_126 : memref<1000000xf32, #tpu.memory_space<hbm>>) target(%dma_start3A_121 : memref<128xf32, #tpu.memory_space<vmem>>) offsets(%dma_start3A_124 : memref<128xi32, #tpu.memory_space<vmem>>) semaphore(%arg12 : memref<!tpu.dma_semaphore, #tpu.memory_space<semaphore_mem>>)
      %dma_start3A_127 = arith.constant 12 : i32
      %dma_start3A_128 = arith.constant 1536 : i32
      %dma_start3A_129 = tpu.memref_slice %arg9[%dma_start3A_128] : memref<2048xf32, #tpu.memory_space<vmem>> -> memref<128xf32, #tpu.memory_space<vmem>>
      %dma_start3A_130 = arith.constant 0 : i32
      %dma_start3A_131 = tpu.memref_slice %arg8[%dma_start3A_127, %dma_start3A_130] : memref<16x128xi32, #tpu.memory_space<vmem>> -> memref<1x128xi32, #tpu.memory_space<vmem>>
      %dma_start3A_132 = tpu.memref_squeeze %dma_start3A_131 : memref<1x128xi32, #tpu.memory_space<vmem>> -> memref<128xi32, #tpu.memory_space<vmem>>
      %dma_start3A_133 = arith.constant 0 : i32
      %dma_start3A_134 = tpu.memref_slice %arg5[%dma_start3A_133] : memref<1000000xf32, #tpu.memory_space<hbm>> -> memref<1000000xf32, #tpu.memory_space<hbm>>
      tpu.enqueue_indirect_dma source(%dma_start3A_134 : memref<1000000xf32, #tpu.memory_space<hbm>>) target(%dma_start3A_129 : memref<128xf32, #tpu.memory_space<vmem>>) offsets(%dma_start3A_132 : memref<128xi32, #tpu.memory_space<vmem>>) semaphore(%arg12 : memref<!tpu.dma_semaphore, #tpu.memory_space<semaphore_mem>>)
      %dma_start3A_135 = arith.constant 13 : i32
      %dma_start3A_136 = arith.constant 1664 : i32
      %dma_start3A_137 = tpu.memref_slice %arg9[%dma_start3A_136] : memref<2048xf32, #tpu.memory_space<vmem>> -> memref<128xf32, #tpu.memory_space<vmem>>
      %dma_start3A_138 = arith.constant 0 : i32
      %dma_start3A_139 = tpu.memref_slice %arg8[%dma_start3A_135, %dma_start3A_138] : memref<16x128xi32, #tpu.memory_space<vmem>> -> memref<1x128xi32, #tpu.memory_space<vmem>>
      %dma_start3A_140 = tpu.memref_squeeze %dma_start3A_139 : memref<1x128xi32, #tpu.memory_space<vmem>> -> memref<128xi32, #tpu.memory_space<vmem>>
      %dma_start3A_141 = arith.constant 0 : i32
      %dma_start3A_142 = tpu.memref_slice %arg5[%dma_start3A_141] : memref<1000000xf32, #tpu.memory_space<hbm>> -> memref<1000000xf32, #tpu.memory_space<hbm>>
      tpu.enqueue_indirect_dma source(%dma_start3A_142 : memref<1000000xf32, #tpu.memory_space<hbm>>) target(%dma_start3A_137 : memref<128xf32, #tpu.memory_space<vmem>>) offsets(%dma_start3A_140 : memref<128xi32, #tpu.memory_space<vmem>>) semaphore(%arg12 : memref<!tpu.dma_semaphore, #tpu.memory_space<semaphore_mem>>)
      %dma_start3A_143 = arith.constant 14 : i32
      %dma_start3A_144 = arith.constant 1792 : i32
      %dma_start3A_145 = tpu.memref_slice %arg9[%dma_start3A_144] : memref<2048xf32, #tpu.memory_space<vmem>> -> memref<128xf32, #tpu.memory_space<vmem>>
      %dma_start3A_146 = arith.constant 0 : i32
      %dma_start3A_147 = tpu.memref_slice %arg8[%dma_start3A_143, %dma_start3A_146] : memref<16x128xi32, #tpu.memory_space<vmem>> -> memref<1x128xi32, #tpu.memory_space<vmem>>
      %dma_start3A_148 = tpu.memref_squeeze %dma_start3A_147 : memref<1x128xi32, #tpu.memory_space<vmem>> -> memref<128xi32, #tpu.memory_space<vmem>>
      %dma_start3A_149 = arith.constant 0 : i32
      %dma_start3A_150 = tpu.memref_slice %arg5[%dma_start3A_149] : memref<1000000xf32, #tpu.memory_space<hbm>> -> memref<1000000xf32, #tpu.memory_space<hbm>>
      tpu.enqueue_indirect_dma source(%dma_start3A_150 : memref<1000000xf32, #tpu.memory_space<hbm>>) target(%dma_start3A_145 : memref<128xf32, #tpu.memory_space<vmem>>) offsets(%dma_start3A_148 : memref<128xi32, #tpu.memory_space<vmem>>) semaphore(%arg12 : memref<!tpu.dma_semaphore, #tpu.memory_space<semaphore_mem>>)
      %dma_start3A_151 = arith.constant 15 : i32
      %dma_start3A_152 = arith.constant 1920 : i32
      %dma_start3A_153 = tpu.memref_slice %arg9[%dma_start3A_152] : memref<2048xf32, #tpu.memory_space<vmem>> -> memref<128xf32, #tpu.memory_space<vmem>>
      %dma_start3A_154 = arith.constant 0 : i32
      %dma_start3A_155 = tpu.memref_slice %arg8[%dma_start3A_151, %dma_start3A_154] : memref<16x128xi32, #tpu.memory_space<vmem>> -> memref<1x128xi32, #tpu.memory_space<vmem>>
      %dma_start3A_156 = tpu.memref_squeeze %dma_start3A_155 : memref<1x128xi32, #tpu.memory_space<vmem>> -> memref<128xi32, #tpu.memory_space<vmem>>
      %dma_start3A_157 = arith.constant 0 : i32
      %dma_start3A_158 = tpu.memref_slice %arg5[%dma_start3A_157] : memref<1000000xf32, #tpu.memory_space<hbm>> -> memref<1000000xf32, #tpu.memory_space<hbm>>
      tpu.enqueue_indirect_dma source(%dma_start3A_158 : memref<1000000xf32, #tpu.memory_space<hbm>>) target(%dma_start3A_153 : memref<128xf32, #tpu.memory_space<vmem>>) offsets(%dma_start3A_156 : memref<128xi32, #tpu.memory_space<vmem>>) semaphore(%arg12 : memref<!tpu.dma_semaphore, #tpu.memory_space<semaphore_mem>>)
      %dma_wait3A = arith.constant 0 : i32
      %dma_wait3A_159 = arith.constant 0 : i32
      %dma_wait3A_160 = tpu.memref_slice %arg9[%dma_wait3A_159] : memref<2048xf32, #tpu.memory_space<vmem>> -> memref<128xf32, #tpu.memory_space<vmem>>
      %dma_wait3A_161 = arith.constant 0 : i32
      %dma_wait3A_162 = tpu.memref_slice %arg8[%dma_wait3A, %dma_wait3A_161] : memref<16x128xi32, #tpu.memory_space<vmem>> -> memref<1x128xi32, #tpu.memory_space<vmem>>
      %dma_wait3A_163 = tpu.memref_squeeze %dma_wait3A_162 : memref<1x128xi32, #tpu.memory_space<vmem>> -> memref<128xi32, #tpu.memory_space<vmem>>
      %dma_wait3A_164 = arith.constant 0 : i32
      %dma_wait3A_165 = tpu.memref_slice %arg5[%dma_wait3A_164] : memref<1000000xf32, #tpu.memory_space<hbm>> -> memref<1000000xf32, #tpu.memory_space<hbm>>
      tpu.wait_indirect_dma semaphore(%arg12 : memref<!tpu.dma_semaphore, #tpu.memory_space<semaphore_mem>>) src(%dma_wait3A_165 : memref<1000000xf32, #tpu.memory_space<hbm>>) dst(%dma_wait3A_160 : memref<128xf32, #tpu.memory_space<vmem>>)
      %dma_wait3A_166 = arith.constant 1 : i32
      %dma_wait3A_167 = arith.constant 128 : i32
      %dma_wait3A_168 = tpu.memref_slice %arg9[%dma_wait3A_167] : memref<2048xf32, #tpu.memory_space<vmem>> -> memref<128xf32, #tpu.memory_space<vmem>>
      %dma_wait3A_169 = arith.constant 0 : i32
      %dma_wait3A_170 = tpu.memref_slice %arg8[%dma_wait3A_166, %dma_wait3A_169] : memref<16x128xi32, #tpu.memory_space<vmem>> -> memref<1x128xi32, #tpu.memory_space<vmem>>
      %dma_wait3A_171 = tpu.memref_squeeze %dma_wait3A_170 : memref<1x128xi32, #tpu.memory_space<vmem>> -> memref<128xi32, #tpu.memory_space<vmem>>
      %dma_wait3A_172 = arith.constant 0 : i32
      %dma_wait3A_173 = tpu.memref_slice %arg5[%dma_wait3A_172] : memref<1000000xf32, #tpu.memory_space<hbm>> -> memref<1000000xf32, #tpu.memory_space<hbm>>
      tpu.wait_indirect_dma semaphore(%arg12 : memref<!tpu.dma_semaphore, #tpu.memory_space<semaphore_mem>>) src(%dma_wait3A_173 : memref<1000000xf32, #tpu.memory_space<hbm>>) dst(%dma_wait3A_168 : memref<128xf32, #tpu.memory_space<vmem>>)
      %dma_wait3A_174 = arith.constant 2 : i32
      %dma_wait3A_175 = arith.constant 256 : i32
      %dma_wait3A_176 = tpu.memref_slice %arg9[%dma_wait3A_175] : memref<2048xf32, #tpu.memory_space<vmem>> -> memref<128xf32, #tpu.memory_space<vmem>>
      %dma_wait3A_177 = arith.constant 0 : i32
      %dma_wait3A_178 = tpu.memref_slice %arg8[%dma_wait3A_174, %dma_wait3A_177] : memref<16x128xi32, #tpu.memory_space<vmem>> -> memref<1x128xi32, #tpu.memory_space<vmem>>
      %dma_wait3A_179 = tpu.memref_squeeze %dma_wait3A_178 : memref<1x128xi32, #tpu.memory_space<vmem>> -> memref<128xi32, #tpu.memory_space<vmem>>
      %dma_wait3A_180 = arith.constant 0 : i32
      %dma_wait3A_181 = tpu.memref_slice %arg5[%dma_wait3A_180] : memref<1000000xf32, #tpu.memory_space<hbm>> -> memref<1000000xf32, #tpu.memory_space<hbm>>
      tpu.wait_indirect_dma semaphore(%arg12 : memref<!tpu.dma_semaphore, #tpu.memory_space<semaphore_mem>>) src(%dma_wait3A_181 : memref<1000000xf32, #tpu.memory_space<hbm>>) dst(%dma_wait3A_176 : memref<128xf32, #tpu.memory_space<vmem>>)
      %dma_wait3A_182 = arith.constant 3 : i32
      %dma_wait3A_183 = arith.constant 384 : i32
      %dma_wait3A_184 = tpu.memref_slice %arg9[%dma_wait3A_183] : memref<2048xf32, #tpu.memory_space<vmem>> -> memref<128xf32, #tpu.memory_space<vmem>>
      %dma_wait3A_185 = arith.constant 0 : i32
      %dma_wait3A_186 = tpu.memref_slice %arg8[%dma_wait3A_182, %dma_wait3A_185] : memref<16x128xi32, #tpu.memory_space<vmem>> -> memref<1x128xi32, #tpu.memory_space<vmem>>
      %dma_wait3A_187 = tpu.memref_squeeze %dma_wait3A_186 : memref<1x128xi32, #tpu.memory_space<vmem>> -> memref<128xi32, #tpu.memory_space<vmem>>
      %dma_wait3A_188 = arith.constant 0 : i32
      %dma_wait3A_189 = tpu.memref_slice %arg5[%dma_wait3A_188] : memref<1000000xf32, #tpu.memory_space<hbm>> -> memref<1000000xf32, #tpu.memory_space<hbm>>
      tpu.wait_indirect_dma semaphore(%arg12 : memref<!tpu.dma_semaphore, #tpu.memory_space<semaphore_mem>>) src(%dma_wait3A_189 : memref<1000000xf32, #tpu.memory_space<hbm>>) dst(%dma_wait3A_184 : memref<128xf32, #tpu.memory_space<vmem>>)
      %dma_wait3A_190 = arith.constant 4 : i32
      %dma_wait3A_191 = arith.constant 512 : i32
      %dma_wait3A_192 = tpu.memref_slice %arg9[%dma_wait3A_191] : memref<2048xf32, #tpu.memory_space<vmem>> -> memref<128xf32, #tpu.memory_space<vmem>>
      %dma_wait3A_193 = arith.constant 0 : i32
      %dma_wait3A_194 = tpu.memref_slice %arg8[%dma_wait3A_190, %dma_wait3A_193] : memref<16x128xi32, #tpu.memory_space<vmem>> -> memref<1x128xi32, #tpu.memory_space<vmem>>
      %dma_wait3A_195 = tpu.memref_squeeze %dma_wait3A_194 : memref<1x128xi32, #tpu.memory_space<vmem>> -> memref<128xi32, #tpu.memory_space<vmem>>
      %dma_wait3A_196 = arith.constant 0 : i32
      %dma_wait3A_197 = tpu.memref_slice %arg5[%dma_wait3A_196] : memref<1000000xf32, #tpu.memory_space<hbm>> -> memref<1000000xf32, #tpu.memory_space<hbm>>
      tpu.wait_indirect_dma semaphore(%arg12 : memref<!tpu.dma_semaphore, #tpu.memory_space<semaphore_mem>>) src(%dma_wait3A_197 : memref<1000000xf32, #tpu.memory_space<hbm>>) dst(%dma_wait3A_192 : memref<128xf32, #tpu.memory_space<vmem>>)
      %dma_wait3A_198 = arith.constant 5 : i32
      %dma_wait3A_199 = arith.constant 640 : i32
      %dma_wait3A_200 = tpu.memref_slice %arg9[%dma_wait3A_199] : memref<2048xf32, #tpu.memory_space<vmem>> -> memref<128xf32, #tpu.memory_space<vmem>>
      %dma_wait3A_201 = arith.constant 0 : i32
      %dma_wait3A_202 = tpu.memref_slice %arg8[%dma_wait3A_198, %dma_wait3A_201] : memref<16x128xi32, #tpu.memory_space<vmem>> -> memref<1x128xi32, #tpu.memory_space<vmem>>
      %dma_wait3A_203 = tpu.memref_squeeze %dma_wait3A_202 : memref<1x128xi32, #tpu.memory_space<vmem>> -> memref<128xi32, #tpu.memory_space<vmem>>
      %dma_wait3A_204 = arith.constant 0 : i32
      %dma_wait3A_205 = tpu.memref_slice %arg5[%dma_wait3A_204] : memref<1000000xf32, #tpu.memory_space<hbm>> -> memref<1000000xf32, #tpu.memory_space<hbm>>
      tpu.wait_indirect_dma semaphore(%arg12 : memref<!tpu.dma_semaphore, #tpu.memory_space<semaphore_mem>>) src(%dma_wait3A_205 : memref<1000000xf32, #tpu.memory_space<hbm>>) dst(%dma_wait3A_200 : memref<128xf32, #tpu.memory_space<vmem>>)
      %dma_wait3A_206 = arith.constant 6 : i32
      %dma_wait3A_207 = arith.constant 768 : i32
      %dma_wait3A_208 = tpu.memref_slice %arg9[%dma_wait3A_207] : memref<2048xf32, #tpu.memory_space<vmem>> -> memref<128xf32, #tpu.memory_space<vmem>>
      %dma_wait3A_209 = arith.constant 0 : i32
      %dma_wait3A_210 = tpu.memref_slice %arg8[%dma_wait3A_206, %dma_wait3A_209] : memref<16x128xi32, #tpu.memory_space<vmem>> -> memref<1x128xi32, #tpu.memory_space<vmem>>
      %dma_wait3A_211 = tpu.memref_squeeze %dma_wait3A_210 : memref<1x128xi32, #tpu.memory_space<vmem>> -> memref<128xi32, #tpu.memory_space<vmem>>
      %dma_wait3A_212 = arith.constant 0 : i32
      %dma_wait3A_213 = tpu.memref_slice %arg5[%dma_wait3A_212] : memref<1000000xf32, #tpu.memory_space<hbm>> -> memref<1000000xf32, #tpu.memory_space<hbm>>
      tpu.wait_indirect_dma semaphore(%arg12 : memref<!tpu.dma_semaphore, #tpu.memory_space<semaphore_mem>>) src(%dma_wait3A_213 : memref<1000000xf32, #tpu.memory_space<hbm>>) dst(%dma_wait3A_208 : memref<128xf32, #tpu.memory_space<vmem>>)
      %dma_wait3A_214 = arith.constant 7 : i32
      %dma_wait3A_215 = arith.constant 896 : i32
      %dma_wait3A_216 = tpu.memref_slice %arg9[%dma_wait3A_215] : memref<2048xf32, #tpu.memory_space<vmem>> -> memref<128xf32, #tpu.memory_space<vmem>>
      %dma_wait3A_217 = arith.constant 0 : i32
      %dma_wait3A_218 = tpu.memref_slice %arg8[%dma_wait3A_214, %dma_wait3A_217] : memref<16x128xi32, #tpu.memory_space<vmem>> -> memref<1x128xi32, #tpu.memory_space<vmem>>
      %dma_wait3A_219 = tpu.memref_squeeze %dma_wait3A_218 : memref<1x128xi32, #tpu.memory_space<vmem>> -> memref<128xi32, #tpu.memory_space<vmem>>
      %dma_wait3A_220 = arith.constant 0 : i32
      %dma_wait3A_221 = tpu.memref_slice %arg5[%dma_wait3A_220] : memref<1000000xf32, #tpu.memory_space<hbm>> -> memref<1000000xf32, #tpu.memory_space<hbm>>
      tpu.wait_indirect_dma semaphore(%arg12 : memref<!tpu.dma_semaphore, #tpu.memory_space<semaphore_mem>>) src(%dma_wait3A_221 : memref<1000000xf32, #tpu.memory_space<hbm>>) dst(%dma_wait3A_216 : memref<128xf32, #tpu.memory_space<vmem>>)
      %dma_wait3A_222 = arith.constant 8 : i32
      %dma_wait3A_223 = arith.constant 1024 : i32
      %dma_wait3A_224 = tpu.memref_slice %arg9[%dma_wait3A_223] : memref<2048xf32, #tpu.memory_space<vmem>> -> memref<128xf32, #tpu.memory_space<vmem>>
      %dma_wait3A_225 = arith.constant 0 : i32
      %dma_wait3A_226 = tpu.memref_slice %arg8[%dma_wait3A_222, %dma_wait3A_225] : memref<16x128xi32, #tpu.memory_space<vmem>> -> memref<1x128xi32, #tpu.memory_space<vmem>>
      %dma_wait3A_227 = tpu.memref_squeeze %dma_wait3A_226 : memref<1x128xi32, #tpu.memory_space<vmem>> -> memref<128xi32, #tpu.memory_space<vmem>>
      %dma_wait3A_228 = arith.constant 0 : i32
      %dma_wait3A_229 = tpu.memref_slice %arg5[%dma_wait3A_228] : memref<1000000xf32, #tpu.memory_space<hbm>> -> memref<1000000xf32, #tpu.memory_space<hbm>>
      tpu.wait_indirect_dma semaphore(%arg12 : memref<!tpu.dma_semaphore, #tpu.memory_space<semaphore_mem>>) src(%dma_wait3A_229 : memref<1000000xf32, #tpu.memory_space<hbm>>) dst(%dma_wait3A_224 : memref<128xf32, #tpu.memory_space<vmem>>)
      %dma_wait3A_230 = arith.constant 9 : i32
      %dma_wait3A_231 = arith.constant 1152 : i32
      %dma_wait3A_232 = tpu.memref_slice %arg9[%dma_wait3A_231] : memref<2048xf32, #tpu.memory_space<vmem>> -> memref<128xf32, #tpu.memory_space<vmem>>
      %dma_wait3A_233 = arith.constant 0 : i32
      %dma_wait3A_234 = tpu.memref_slice %arg8[%dma_wait3A_230, %dma_wait3A_233] : memref<16x128xi32, #tpu.memory_space<vmem>> -> memref<1x128xi32, #tpu.memory_space<vmem>>
      %dma_wait3A_235 = tpu.memref_squeeze %dma_wait3A_234 : memref<1x128xi32, #tpu.memory_space<vmem>> -> memref<128xi32, #tpu.memory_space<vmem>>
      %dma_wait3A_236 = arith.constant 0 : i32
      %dma_wait3A_237 = tpu.memref_slice %arg5[%dma_wait3A_236] : memref<1000000xf32, #tpu.memory_space<hbm>> -> memref<1000000xf32, #tpu.memory_space<hbm>>
      tpu.wait_indirect_dma semaphore(%arg12 : memref<!tpu.dma_semaphore, #tpu.memory_space<semaphore_mem>>) src(%dma_wait3A_237 : memref<1000000xf32, #tpu.memory_space<hbm>>) dst(%dma_wait3A_232 : memref<128xf32, #tpu.memory_space<vmem>>)
      %dma_wait3A_238 = arith.constant 10 : i32
      %dma_wait3A_239 = arith.constant 1280 : i32
      %dma_wait3A_240 = tpu.memref_slice %arg9[%dma_wait3A_239] : memref<2048xf32, #tpu.memory_space<vmem>> -> memref<128xf32, #tpu.memory_space<vmem>>
      %dma_wait3A_241 = arith.constant 0 : i32
      %dma_wait3A_242 = tpu.memref_slice %arg8[%dma_wait3A_238, %dma_wait3A_241] : memref<16x128xi32, #tpu.memory_space<vmem>> -> memref<1x128xi32, #tpu.memory_space<vmem>>
      %dma_wait3A_243 = tpu.memref_squeeze %dma_wait3A_242 : memref<1x128xi32, #tpu.memory_space<vmem>> -> memref<128xi32, #tpu.memory_space<vmem>>
      %dma_wait3A_244 = arith.constant 0 : i32
      %dma_wait3A_245 = tpu.memref_slice %arg5[%dma_wait3A_244] : memref<1000000xf32, #tpu.memory_space<hbm>> -> memref<1000000xf32, #tpu.memory_space<hbm>>
      tpu.wait_indirect_dma semaphore(%arg12 : memref<!tpu.dma_semaphore, #tpu.memory_space<semaphore_mem>>) src(%dma_wait3A_245 : memref<1000000xf32, #tpu.memory_space<hbm>>) dst(%dma_wait3A_240 : memref<128xf32, #tpu.memory_space<vmem>>)
      %dma_wait3A_246 = arith.constant 11 : i32
      %dma_wait3A_247 = arith.constant 1408 : i32
      %dma_wait3A_248 = tpu.memref_slice %arg9[%dma_wait3A_247] : memref<2048xf32, #tpu.memory_space<vmem>> -> memref<128xf32, #tpu.memory_space<vmem>>
      %dma_wait3A_249 = arith.constant 0 : i32
      %dma_wait3A_250 = tpu.memref_slice %arg8[%dma_wait3A_246, %dma_wait3A_249] : memref<16x128xi32, #tpu.memory_space<vmem>> -> memref<1x128xi32, #tpu.memory_space<vmem>>
      %dma_wait3A_251 = tpu.memref_squeeze %dma_wait3A_250 : memref<1x128xi32, #tpu.memory_space<vmem>> -> memref<128xi32, #tpu.memory_space<vmem>>
      %dma_wait3A_252 = arith.constant 0 : i32
      %dma_wait3A_253 = tpu.memref_slice %arg5[%dma_wait3A_252] : memref<1000000xf32, #tpu.memory_space<hbm>> -> memref<1000000xf32, #tpu.memory_space<hbm>>
      tpu.wait_indirect_dma semaphore(%arg12 : memref<!tpu.dma_semaphore, #tpu.memory_space<semaphore_mem>>) src(%dma_wait3A_253 : memref<1000000xf32, #tpu.memory_space<hbm>>) dst(%dma_wait3A_248 : memref<128xf32, #tpu.memory_space<vmem>>)
      %dma_wait3A_254 = arith.constant 12 : i32
      %dma_wait3A_255 = arith.constant 1536 : i32
      %dma_wait3A_256 = tpu.memref_slice %arg9[%dma_wait3A_255] : memref<2048xf32, #tpu.memory_space<vmem>> -> memref<128xf32, #tpu.memory_space<vmem>>
      %dma_wait3A_257 = arith.constant 0 : i32
      %dma_wait3A_258 = tpu.memref_slice %arg8[%dma_wait3A_254, %dma_wait3A_257] : memref<16x128xi32, #tpu.memory_space<vmem>> -> memref<1x128xi32, #tpu.memory_space<vmem>>
      %dma_wait3A_259 = tpu.memref_squeeze %dma_wait3A_258 : memref<1x128xi32, #tpu.memory_space<vmem>> -> memref<128xi32, #tpu.memory_space<vmem>>
      %dma_wait3A_260 = arith.constant 0 : i32
      %dma_wait3A_261 = tpu.memref_slice %arg5[%dma_wait3A_260] : memref<1000000xf32, #tpu.memory_space<hbm>> -> memref<1000000xf32, #tpu.memory_space<hbm>>
      tpu.wait_indirect_dma semaphore(%arg12 : memref<!tpu.dma_semaphore, #tpu.memory_space<semaphore_mem>>) src(%dma_wait3A_261 : memref<1000000xf32, #tpu.memory_space<hbm>>) dst(%dma_wait3A_256 : memref<128xf32, #tpu.memory_space<vmem>>)
      %dma_wait3A_262 = arith.constant 13 : i32
      %dma_wait3A_263 = arith.constant 1664 : i32
      %dma_wait3A_264 = tpu.memref_slice %arg9[%dma_wait3A_263] : memref<2048xf32, #tpu.memory_space<vmem>> -> memref<128xf32, #tpu.memory_space<vmem>>
      %dma_wait3A_265 = arith.constant 0 : i32
      %dma_wait3A_266 = tpu.memref_slice %arg8[%dma_wait3A_262, %dma_wait3A_265] : memref<16x128xi32, #tpu.memory_space<vmem>> -> memref<1x128xi32, #tpu.memory_space<vmem>>
      %dma_wait3A_267 = tpu.memref_squeeze %dma_wait3A_266 : memref<1x128xi32, #tpu.memory_space<vmem>> -> memref<128xi32, #tpu.memory_space<vmem>>
      %dma_wait3A_268 = arith.constant 0 : i32
      %dma_wait3A_269 = tpu.memref_slice %arg5[%dma_wait3A_268] : memref<1000000xf32, #tpu.memory_space<hbm>> -> memref<1000000xf32, #tpu.memory_space<hbm>>
      tpu.wait_indirect_dma semaphore(%arg12 : memref<!tpu.dma_semaphore, #tpu.memory_space<semaphore_mem>>) src(%dma_wait3A_269 : memref<1000000xf32, #tpu.memory_space<hbm>>) dst(%dma_wait3A_264 : memref<128xf32, #tpu.memory_space<vmem>>)
      %dma_wait3A_270 = arith.constant 14 : i32
      %dma_wait3A_271 = arith.constant 1792 : i32
      %dma_wait3A_272 = tpu.memref_slice %arg9[%dma_wait3A_271] : memref<2048xf32, #tpu.memory_space<vmem>> -> memref<128xf32, #tpu.memory_space<vmem>>
      %dma_wait3A_273 = arith.constant 0 : i32
      %dma_wait3A_274 = tpu.memref_slice %arg8[%dma_wait3A_270, %dma_wait3A_273] : memref<16x128xi32, #tpu.memory_space<vmem>> -> memref<1x128xi32, #tpu.memory_space<vmem>>
      %dma_wait3A_275 = tpu.memref_squeeze %dma_wait3A_274 : memref<1x128xi32, #tpu.memory_space<vmem>> -> memref<128xi32, #tpu.memory_space<vmem>>
      %dma_wait3A_276 = arith.constant 0 : i32
      %dma_wait3A_277 = tpu.memref_slice %arg5[%dma_wait3A_276] : memref<1000000xf32, #tpu.memory_space<hbm>> -> memref<1000000xf32, #tpu.memory_space<hbm>>
      tpu.wait_indirect_dma semaphore(%arg12 : memref<!tpu.dma_semaphore, #tpu.memory_space<semaphore_mem>>) src(%dma_wait3A_277 : memref<1000000xf32, #tpu.memory_space<hbm>>) dst(%dma_wait3A_272 : memref<128xf32, #tpu.memory_space<vmem>>)
      %dma_wait3A_278 = arith.constant 15 : i32
      %dma_wait3A_279 = arith.constant 1920 : i32
      %dma_wait3A_280 = tpu.memref_slice %arg9[%dma_wait3A_279] : memref<2048xf32, #tpu.memory_space<vmem>> -> memref<128xf32, #tpu.memory_space<vmem>>
      %dma_wait3A_281 = arith.constant 0 : i32
      %dma_wait3A_282 = tpu.memref_slice %arg8[%dma_wait3A_278, %dma_wait3A_281] : memref<16x128xi32, #tpu.memory_space<vmem>> -> memref<1x128xi32, #tpu.memory_space<vmem>>
      %dma_wait3A_283 = tpu.memref_squeeze %dma_wait3A_282 : memref<1x128xi32, #tpu.memory_space<vmem>> -> memref<128xi32, #tpu.memory_space<vmem>>
      %dma_wait3A_284 = arith.constant 0 : i32
      %dma_wait3A_285 = tpu.memref_slice %arg5[%dma_wait3A_284] : memref<1000000xf32, #tpu.memory_space<hbm>> -> memref<1000000xf32, #tpu.memory_space<hbm>>
      tpu.wait_indirect_dma semaphore(%arg12 : memref<!tpu.dma_semaphore, #tpu.memory_space<semaphore_mem>>) src(%dma_wait3A_285 : memref<1000000xf32, #tpu.memory_space<hbm>>) dst(%dma_wait3A_280 : memref<128xf32, #tpu.memory_space<vmem>>)
      %scan3A_286 = arith.constant 0 : i32
      %scan3A_287 = arith.constant 0 : i32
      %scan3A_288 = arith.constant 128 : i32
      %scan3A_289 = arith.addi %scan3A_287, %scan3A_288 : i32
      %scan3A_290 = arith.constant 1 : i32
      scf.for %scan3A_292 = %scan3A_287 to %scan3A_289 step %scan3A_290  : i32 {
        %mul3A_293 = arith.constant 256 : i32
        %mul3A_294 = arith.muli %scan3A_292, %mul3A_293 : i32
        %iota3A = tpu.iota {dimensions = array<i32: 0>} : vector<16xi32>
        %mul3A_295 = arith.constant 16 : i32
        %mul3A_296 = vector.broadcast %mul3A_295 : i32 to vector<16xi32>
        %mul3A_297 = arith.muli %iota3A, %mul3A_296 : vector<16xi32>
        %broadcast_in_dim3A = arith.constant 16 : i32
        %broadcast_in_dim3A_298 = vector.broadcast %broadcast_in_dim3A : i32 to vector<16xi32>
        %gather3A = tpu.vector_load_idx %arg11[%broadcast_in_dim3A_298] : memref<128xf32, #tpu.memory_space<vmem>>[vector<16xi32>], vector<16xf32>,
        %scan3A_299 = arith.constant 0 : i32
        %scan3A_300 = arith.constant 4 : i32
        %scan3A_301 = arith.addi %scan3A_299, %scan3A_300 : i32
        %scan3A_302 = arith.constant 1 : i32
        %scan3A_303 = scf.for %scan3A_312 = %scan3A_299 to %scan3A_301 step %scan3A_302 iter_args(%scan3A_313 = %gather3A) -> (vector<16xf32>)  : i32 {
          %mul3A_314 = arith.constant 4 : i32
          %mul3A_315 = arith.muli %scan3A_312, %mul3A_314 : i32
          %add3A_316 = arith.addi %mul3A_294, %mul3A_315 : i32
          %add3A_317 = arith.constant 0 : i32
          %add3A_318 = arith.addi %add3A_316, %add3A_317 : i32
          %add3A_319 = vector.broadcast %add3A_318 : i32 to vector<16xi32>
          %add3A_320 = arith.addi %mul3A_297, %add3A_319 : vector<16xi32>
          %gather3A_321 = tpu.vector_load_idx %arg7[%add3A_320] : memref<32768xf32, #tpu.memory_space<vmem>>[vector<16xi32>], vector<16xf32>,
          %broadcast_in_dim3A_322 = arith.constant 0 : i32
          %broadcast_in_dim3A_323 = vector.broadcast %broadcast_in_dim3A_322 : i32 to vector<16xi32>
          %add3A_324 = arith.constant 0 : i32
          %add3A_325 = arith.addi %mul3A_315, %add3A_324 : i32
          %add3A_326 = vector.broadcast %add3A_325 : i32 to vector<16xi32>
          %add3A_327 = arith.addi %broadcast_in_dim3A_323, %add3A_326 : vector<16xi32>
          %gather3A_328 = tpu.vector_load_idx %arg11[%add3A_327] : memref<128xf32, #tpu.memory_space<vmem>>[vector<16xi32>], vector<16xf32>,
          %mul3A_329 = arith.mulf %gather3A_321, %gather3A_328 : vector<16xf32>
          %add3A_330 = arith.addf %scan3A_313, %mul3A_329 : vector<16xf32>
          %add3A_331 = arith.addi %mul3A_294, %mul3A_315 : i32
          %add3A_332 = arith.constant 1 : i32
          %add3A_333 = arith.addi %add3A_331, %add3A_332 : i32
          %add3A_334 = vector.broadcast %add3A_333 : i32 to vector<16xi32>
          %add3A_335 = arith.addi %mul3A_297, %add3A_334 : vector<16xi32>
          %gather3A_336 = tpu.vector_load_idx %arg7[%add3A_335] : memref<32768xf32, #tpu.memory_space<vmem>>[vector<16xi32>], vector<16xf32>,
          %broadcast_in_dim3A_337 = arith.constant 0 : i32
          %broadcast_in_dim3A_338 = vector.broadcast %broadcast_in_dim3A_337 : i32 to vector<16xi32>
          %add3A_339 = arith.constant 1 : i32
          %add3A_340 = arith.addi %mul3A_315, %add3A_339 : i32
          %add3A_341 = vector.broadcast %add3A_340 : i32 to vector<16xi32>
          %add3A_342 = arith.addi %broadcast_in_dim3A_338, %add3A_341 : vector<16xi32>
          %gather3A_343 = tpu.vector_load_idx %arg11[%add3A_342] : memref<128xf32, #tpu.memory_space<vmem>>[vector<16xi32>], vector<16xf32>,
          %mul3A_344 = arith.mulf %gather3A_336, %gather3A_343 : vector<16xf32>
          %add3A_345 = arith.addf %add3A_330, %mul3A_344 : vector<16xf32>
          %add3A_346 = arith.addi %mul3A_294, %mul3A_315 : i32
          %add3A_347 = arith.constant 2 : i32
          %add3A_348 = arith.addi %add3A_346, %add3A_347 : i32
          %add3A_349 = vector.broadcast %add3A_348 : i32 to vector<16xi32>
          %add3A_350 = arith.addi %mul3A_297, %add3A_349 : vector<16xi32>
          %gather3A_351 = tpu.vector_load_idx %arg7[%add3A_350] : memref<32768xf32, #tpu.memory_space<vmem>>[vector<16xi32>], vector<16xf32>,
          %broadcast_in_dim3A_352 = arith.constant 0 : i32
          %broadcast_in_dim3A_353 = vector.broadcast %broadcast_in_dim3A_352 : i32 to vector<16xi32>
          %add3A_354 = arith.constant 2 : i32
          %add3A_355 = arith.addi %mul3A_315, %add3A_354 : i32
          %add3A_356 = vector.broadcast %add3A_355 : i32 to vector<16xi32>
          %add3A_357 = arith.addi %broadcast_in_dim3A_353, %add3A_356 : vector<16xi32>
          %gather3A_358 = tpu.vector_load_idx %arg11[%add3A_357] : memref<128xf32, #tpu.memory_space<vmem>>[vector<16xi32>], vector<16xf32>,
          %mul3A_359 = arith.mulf %gather3A_351, %gather3A_358 : vector<16xf32>
          %add3A_360 = arith.addf %add3A_345, %mul3A_359 : vector<16xf32>
          %add3A_361 = arith.addi %mul3A_294, %mul3A_315 : i32
          %add3A_362 = arith.constant 3 : i32
          %add3A_363 = arith.addi %add3A_361, %add3A_362 : i32
          %add3A_364 = vector.broadcast %add3A_363 : i32 to vector<16xi32>
          %add3A_365 = arith.addi %mul3A_297, %add3A_364 : vector<16xi32>
          %gather3A_366 = tpu.vector_load_idx %arg7[%add3A_365] : memref<32768xf32, #tpu.memory_space<vmem>>[vector<16xi32>], vector<16xf32>,
          %broadcast_in_dim3A_367 = arith.constant 0 : i32
          %broadcast_in_dim3A_368 = vector.broadcast %broadcast_in_dim3A_367 : i32 to vector<16xi32>
          %add3A_369 = arith.constant 3 : i32
          %add3A_370 = arith.addi %mul3A_315, %add3A_369 : i32
          %add3A_371 = vector.broadcast %add3A_370 : i32 to vector<16xi32>
          %add3A_372 = arith.addi %broadcast_in_dim3A_368, %add3A_371 : vector<16xi32>
          %gather3A_373 = tpu.vector_load_idx %arg11[%add3A_372] : memref<128xf32, #tpu.memory_space<vmem>>[vector<16xi32>], vector<16xf32>,
          %mul3A_374 = arith.mulf %gather3A_366, %gather3A_373 : vector<16xf32>
          %add3A_375 = arith.addf %add3A_360, %mul3A_374 : vector<16xf32>
          scf.yield %add3A_375 : vector<16xf32>
        }
        %scan3A_304 = arith.constant 4 : i32
        %mul3A_305 = arith.constant 16 : i32
        %mul3A_306 = arith.muli %scan3A_292, %mul3A_305 : i32
        %get3A = arith.index_cast %mul3A_306 : i32 to index
        %get3A_307 = tpu.vector_load %arg9[%get3A] {strides = array<i32>} : memref<2048xf32, #tpu.memory_space<vmem>>, vector<16xf32>,
        %exp3A = math.exp %scan3A_303 : vector<16xf32>
        %mul3A_308 = arith.mulf %get3A_307, %exp3A : vector<16xf32>
        %mul3A_309 = arith.constant 16 : i32
        %mul3A_310 = arith.muli %scan3A_292, %mul3A_309 : i32
        %swap3A = arith.index_cast %mul3A_310 : i32 to index
        %swap3A_311 = tpu.vector_load %arg10[%swap3A] {strides = array<i32>} : memref<2048xf32, #tpu.memory_space<vmem>>, vector<16xf32>,
        tpu.vector_store %arg10[%swap3A], %mul3A_308 {strides = array<i32>} : memref<2048xf32, #tpu.memory_space<vmem>>, vector<16xf32>,
      }
      %scan3A_291 = arith.constant 128 : i32
      "tpu.region"() ({
        %run_scoped3A = tpu.sem_alloc : memref<!tpu.dma_semaphore, #tpu.memory_space<semaphore_mem>>
        %dma_start3A_292 = tpu.memref_slice %arg6[%multiple_of3A] : memref<3276800xf32, #tpu.memory_space<hbm>> -> memref<2048xf32, #tpu.memory_space<hbm>>
        %dma_start3A_293 = tpu.memref_slice %arg6[%multiple_of3A] : memref<3276800xf32, #tpu.memory_space<hbm>> -> memref<2048xf32, #tpu.memory_space<hbm>>
        tpu.enqueue_dma source(%arg10 : memref<2048xf32, #tpu.memory_space<vmem>>) target(%dma_start3A_293 : memref<2048xf32, #tpu.memory_space<hbm>>) target_semaphore(%run_scoped3A : memref<!tpu.dma_semaphore, #tpu.memory_space<semaphore_mem>>)
        %dma_wait3A_294 = tpu.memref_slice %arg6[%multiple_of3A] : memref<3276800xf32, #tpu.memory_space<hbm>> -> memref<2048xf32, #tpu.memory_space<hbm>>
        %dma_wait3A_295 = tpu.memref_slice %arg6[%multiple_of3A] : memref<3276800xf32, #tpu.memory_space<hbm>> -> memref<2048xf32, #tpu.memory_space<hbm>>
        tpu.wait_dma2 semaphore(%run_scoped3A : memref<!tpu.dma_semaphore, #tpu.memory_space<semaphore_mem>>) src(%arg10 : memref<2048xf32, #tpu.memory_space<vmem>>) dst(%dma_wait3A_295 : memref<2048xf32, #tpu.memory_space<hbm>>)
        tpu.yield
      }) : () -> ()
    }
    %scan3A_5 = arith.constant 50 : i32
    return
  }
}

</mosaic_0001>

<sc_bundles>
// kernel: kernel.3.cloned.1.call-start
scs
__scs_entry_jumppad:
0x0: {  	(pc) =	sbr.rel $0x88, $3  }
0x1: {  	(tag) =	ssettag $0x0;
	lr =	simm.s32 $0x1  }
0x2: {  	[smem:$0x3F9C] =	sst lr;
	_ =	strace $0xD0000000  }
0x3: {  	_ = 	snop  }
0x4: {  	_ = 	snop  }
0x5: {  	_ = 	snop  }
0x6: {  	_ = 	snop  }
0x7: {  	_ = 	snop  }
__scs_overlays_trampoline_lowered:
0x8: {  	[smem:$0x3FAB] =	sst s0  }
0x9: {  	[smem:$0x3FAC] =	sst s1  }
0xa: {  	[smem:$0x3FAD] =	sst s2  }
0xb: {  	[smem:$0x3FAE] =	sst s3  }
0xc: {  	[smem:$0x3FAF] =	sst s4  }
0xd: {  	[smem:$0x3FB0] =	sst s5  }
0xe: {  	[smem:$0x3FB1] =	sst s6  }
0xf: {  	[smem:$0x3FB2] =	sst s7  }
0x10: {  	[smem:$0x3FB3] =	sst s8  }
0x11: {  	[smem:$0x3FB4] =	sst s9;
	s0 =	simm.s32 @!p0 $0x0  }
0x12: {  	s1 =	sld [smem:$0x3F9A];
	s0 =	simm.s32 @p0 $0x1  }
0x13: {  	[smem:$0x3FB5] =	sst s0;
	s0 =	simm.s32 @!p1 $0x0  }
0x14: {  	s2 =	sld [smem:$0x3F99];
	s0 =	simm.s32 @p1 $0x1  }
0x15: {  	[smem:$0x3FB6] =	sst s0;
	s0 =	simm.s32 @!p2 $0x0  }
0x16: {  	s3 =	sld [smem:$0x3FDB];
	s0 =	simm.s32 @p2 $0x1  }
0x17: {  	s4 =	simm.s32 $0x1BF5;
	[smem:$0x3FB8] =	sst s0  }
0x18: {  	s0 =	sld [smem:$0x3F9B];
	_ =	swait.ge [sflag:s4], $0x0  }
0x19: {  	s7 =	sld [smem:$0x3F9C]  }
0x1a: {  	s8 =	sadd.s32 $0xFFFFE003, lr  }
0x1b: {  	s9 =	sadd.s32 $0xFFFFFEF7, lr;
	s5 =	simm.s32 $0xFFFFFFFF;
	p2 =	slt.u32 s8, $0xFFFFF086  }
0x1c: {  	p1 =	slt.u32 s9, $0xF7A;
	s5 =	simm.s32 @!p2 $0x0  }
0x1d: {  	s5 =	simm.s32 @p1 $0x1;
	p0 =	seq.s32 s7, s2  }
0x1e: {  	s7 =	smul.u32 @!p0 $0xF7A, s2;
	p2 =	seq.s32 @!p0 s5, $0x0  }
0x1f: {  	s9 =	smul.u32 $0xF7A, s1;
	s8 =	simm.s32 @!p0 $0x1BF5;
	p2 =	por !p2, p0  }
0x20: {  	[sflag:s8] =	ssyncset.s32 @!p0 $0xFFFFF086;
	s6 =	sadd.s32 @!p0 s3, s7;
	s7 =	simm.s32 @!p0 $0x108  }
0x21: {  	s3 =	sadd.s32 s3, s9;
	s6 =	sadd.s32 @!p0 $0x88, s6;
	s7 =	simm.s32 @p2 $0x1082  }
0x22: {  	[simem:s7], [sflag:s8] =	dma.local @!p0 [hbm:s6], $0xF7A  }
0x23: {  	s9 =	sor.u32 $0xD0000000, s2;
	s6 =	simm.s32 $0x108;
	_ =	swait.ge @!p0 [sflag:s8], $0x0  }
0x24: {  	s3 =	sadd.s32 $0x88, s3;
	s6 =	simm.s32 @!p1 $0x1082;
	[sflag:s4] =	ssyncset.s32 $0xFFFFF086  }
0x25: {  	[simem:s6], [sflag:s4] =	dma.local [hbm:s3], $0xF7A  }
0x26: {  	[smem:$0x3F9C] =	sst s1;
	(tag) =	ssettag s2;
	_ =	strace s9  }
0x27: {  	s1 =	sld [smem:$0x3FAC]  }
0x28: {  	s2 =	sld [smem:$0x3FAD]  }
0x29: {  	s4 =	sld [smem:$0x3FAF]  }
0x2a: {  	p0 =	seq.s32 s5, $0x0;
	s5 =	sld [smem:$0x3FB0]  }
0x2b: {  	s6 =	sld [smem:$0x3FB1]  }
0x2c: {  	s7 =	sld [smem:$0x3FB2]  }
0x2d: {  	s3 =	simm.s32 $0x108;
	s8 =	sld [smem:$0x3FB3]  }
0x2e: {  	s3 =	simm.s32 @!p0 $0x1082;
	s9 =	sld [smem:$0x3FB4]  }
0x2f: {  	lr =	sadd.s32 s0, s3;
	s0 =	sld [smem:$0x3FAB]  }
0x30: {  	s3 =	sld [smem:$0x3FAE]  }
0x31: {  	[smem:$0x3FB7] =	sst s10  }
0x32: {  	s10 =	sld [smem:$0x3FB5];
	_ =	sdelay $0x3  }
0x33: {  	p0 =	seq.s32 s10, $0x1;
	s10 =	sld [smem:$0x3FB7];
	_ =	sdelay $0x3  }
0x34: {  	[smem:$0x3FB7] =	sst s10  }
0x35: {  	s10 =	sld [smem:$0x3FB6];
	_ =	sdelay $0x3  }
0x36: {  	p1 =	seq.s32 s10, $0x1;
	s10 =	sld [smem:$0x3FB7];
	_ =	sdelay $0x3  }
0x37: {  	[smem:$0x3FB7] =	sst s10  }
0x38: {  	s10 =	sld [smem:$0x3FB8]  }
0x39: {  	_ = 	snop;
	(pc) =	sbr.ind lr, $3  }
0x3a: {  	_ = 	snop  }
0x3b: {  	_ = 	snop  }
0x3c: {  	p2 =	seq.s32 s10, $0x1;
	s10 =	sld [smem:$0x3FB7]  }
0x3d: {  	_ =	shalt  }
0x3e: {  	_ =	shalt  }
0x3f: {  	_ =	shalt  }
0x40: {  	_ =	shalt  }
0x41: {  	_ =	shalt  }
0x42: {  	_ =	shalt  }
0x43: {  	_ =	shalt  }
0x44: {  	_ =	shalt  }
0x45: {  	_ =	shalt  }
0x46: {  	_ =	shalt  }
0x47: {  	_ =	shalt  }
0x48: {  	_ =	shalt  }
0x49: {  	_ =	shalt  }
0x4a: {  	_ =	shalt  }
0x4b: {  	_ =	shalt  }
0x4c: {  	_ =	shalt  }
0x4d: {  	_ =	shalt  }
0x4e: {  	_ =	shalt  }
0x4f: {  	_ =	shalt  }
0x50: {  	_ =	shalt  }
0x51: {  	_ =	shalt  }
0x52: {  	_ =	shalt  }
0x53: {  	_ =	shalt  }
0x54: {  	_ =	shalt  }
0x55: {  	_ =	shalt  }
0x56: {  	_ =	shalt  }
0x57: {  	_ =	shalt  }
0x58: {  	_ =	shalt  }
0x59: {  	_ =	shalt  }
0x5a: {  	_ =	shalt  }
0x5b: {  	_ =	shalt  }
0x5c: {  	_ =	shalt  }
0x5d: {  	_ =	shalt  }
0x5e: {  	_ =	shalt  }
0x5f: {  	_ =	shalt  }
0x60: {  	_ =	shalt  }
0x61: {  	_ =	shalt  }
0x62: {  	_ =	shalt  }
0x63: {  	_ =	shalt  }
0x64: {  	_ =	shalt  }
0x65: {  	_ =	shalt  }
0x66: {  	_ =	shalt  }
0x67: {  	_ =	shalt  }
0x68: {  	_ =	shalt  }
0x69: {  	_ =	shalt  }
0x6a: {  	_ =	shalt  }
0x6b: {  	_ =	shalt  }
0x6c: {  	_ =	shalt  }
0x6d: {  	_ =	shalt  }
0x6e: {  	_ =	shalt  }
0x6f: {  	_ =	shalt  }
0x70: {  	_ =	shalt  }
0x71: {  	_ =	shalt  }
0x72: {  	_ =	shalt  }
0x73: {  	_ =	shalt  }
0x74: {  	_ =	shalt  }
0x75: {  	_ =	shalt  }
0x76: {  	_ =	shalt  }
0x77: {  	_ =	shalt  }
0x78: {  	_ =	shalt  }
0x79: {  	_ =	shalt  }
0x7a: {  	_ =	shalt  }
0x7b: {  	_ =	shalt  }
0x7c: {  	_ =	shalt  }
0x7d: {  	_ =	shalt  }
0x7e: {  	_ =	shalt  }
0x7f: {  	_ =	shalt  }
0x80: {  	_ =	shalt  }
0x81: {  	_ =	shalt  }
0x82: {  	_ =	shalt  }
0x83: {  	_ =	shalt  }
0x84: {  	_ =	shalt  }
0x85: {  	_ =	shalt  }
0x86: {  	_ =	shalt  }
0x87: {  	_ =	shalt  }
.Lfunc_end0:
.L_simem_size_0:
called_computation_lowered:
.L_overlay_start_0:
0x88: {  	s2 =	sld [smem:$0x3FD9]  }
0x89: {  	s3 =	sld [smem:$0x3FFE];
	_ =	sdelay $0x1  }
0x8a: {  	s1 =	srdreg.scid  }
0x8b: {  	s0 =	sand.u32 $0x1, s1  }
0x8c: {  	s17 =	sshll.u32 s0, $0xA;
	s2 =	sadd.s32 s3, s2  }
0x8d: {  	s2 =	sadd.s32 s2, s17  }
0x8e: {  	[smem:$0x3FC3] =	sst s2  }
0x8f: {  	_ = 	snop  }
0x90: {  	s2 =	sld [smem:$0x3FC5]  }
0x91: {  	s18 =	sld [smem:$0x3FD0];
	(tm) =	ssettm $0x1  }
0x92: {  	s4 =	sld [smem:$0x3FFB];
	_ =	sdelay $0x3  }
0x93: {  	_ =	strace s4  }
0x94: {  	s4 =	sld [smem:$0x3FFC];
	_ =	sdelay $0x3  }
0x95: {  	_ =	strace s4  }
0x96: {  	s4 =	sld [smem:$0x3FFD];
	_ =	sdelay $0x3  }
0x97: {  	_ =	strace s4  }
0x98: {  	_ =	strace $0x8FFFFFFF  }
0x99: {  	s19 =	sld [smem:$0x3FDB];
	_ =	sdelay $0x1  }
0x9a: {  	s5 =	simm.s32 $_scs_section_size  }
0x9b: {  	s6 =	simm.s32 $_size__tile_overlayer_lowered;
	s7 =	simm.s32 $_tile_overlayer_lowered  }
0x9c: {  	s22 =	simm.s32 $0x1BFF;
	s21 =	sshll.u32 s7, $0x1;
	s4 =	sadd.s32 s5, s19  }
0x9d: {  	s8 =	simm.s32 $0x0;
	s20 =	sshll.u32 s6, $0x1;
	s6 =	sadd.s32 s21, s4  }
0x9e: {  	[timem:s8], [sflag:s22] =	dma.local [hbm:s6], s20  }
0x9f: {  	_ =	swait.ge [sflag:s22], s20  }
0xa0: {  	s5 =	ssub.s32 $0x0, s20;
	[sflag:s22] =	ssyncset.done $0x0  }
0xa1: {  	[sflag:s22] =	ssyncadd.s32 s5;
	_ =	sdelay $0x1  }
0xa2: {  	s23 =	simm.s32 $0x1B8B  }
0xa3: {  	_ =	swait.ge [sflag:s23], $0x1  }
0xa4: {  	[sflag:s23] =	ssyncset.done $0x0  }
0xa5: {  	s25 =	simm.s32 $0x1B8E;
	s24 =	sld [smem:$0x3FFE];
	[sflag:s23] =	ssyncadd.s32 $0xFFFFFFFF  }
0xa6: {  	s26 =	simm.s32 $execute0_lowered;
	[smem:$0x3FD2] =	sst s25  }
0xa7: {  	s6 =	sshll.u32 s26, $0x1;
	_ =	strace $0x80000046;
	[dreg:$0x1] =	wrdreg $0xFFFFFFFF  }
0xa8: {  	s28 =	simm.s32 $_size_execute0_lowered;
	s4 =	sadd.s32 s4, s6;
	[dreg:$0x0] =	wrdreg $0x0  }
0xa9: {  	s6 =	sshll.u32 s28, $0x1;
	[dreg:$0x2] =	wrdreg s4  }
0xaa: {  	[dreg:$0x3] =	wrdreg s6  }
0xab: {  	[dreg:$0x4] =	wrdreg $0xC0  }
0xac: {  	_ =	task [dreg:s8], $0x5FFFF  }
0xad: {  	[dreg:$0x1] =	wrdreg $0xFFFFFFFF  }
0xae: {  	[dreg:$0x0] =	wrdreg $0x60  }
0xaf: {  	[dreg:$0x2] =	wrdreg s24  }
0xb0: {  	[dreg:$0x3] =	wrdreg s18  }
0xb1: {  	[dreg:$0x4] =	wrdreg s2  }
0xb2: {  	[dreg:$0x5] =	wrdreg $0x9  }
0xb3: {  	_ =	task.clear_ibuf [dreg:s8], $0x6FFFF;
	_ =	strace $0x90000046  }
0xb4: {  	s29 =	simm.s32 $0x9;
	_ =	strace $0x80000048  }
0xb5: {  	_ =	swait.ge [sflag:s29], $0x1  }
0xb6: {  	[sflag:s29] =	ssyncadd.s32 $0xFFFFFFFF  }
0xb7: {  	_ =	strace $0x90000048  }
0xb8: {  	_ =	sfence  }
0xb9: {  	s30 =	sld [smem:$0x0];
	_ =	sdelay $0x2  }
0xba: {  	s31 =	sshll.u32 s1, $0xD;
	s1 =	sshrl.u32 s1, $0x2  }
0xbb: {  	s3 =	sand.u32 $0x4000, s31;
	s1 =	sadd.s32 s1, s30  }
0xbc: {  	s0 =	sor.u32 s3, s0;
	s1 =	sshll.u32 s1, $0x11  }
0xbd: {  	s0 =	sor.u32 s1, s0  }
0xbe: {  	s0 =	sadd.s32 $0x8F2B, s0  }
0xbf: {  	[sflag:s0] =	ssyncadd.remote.s32 $0x1  }
0xc0: {  	_ =	sfence.sel $0xFFFF  }
0xc1: {  	[dreg:$0x0] =	wrdreg $0xFFFFFFFF;
	(pc) =	sbr.abs _section_cstart, $3  }
0xc2: {  	[dreg:$0x1] =	wrdreg $0xFFFFFFFF  }
0xc3: {  	_ =	task.clear_ibuf [dreg:s8], $0x2FFFF;
	_ =	strace $0x9FFFFFFF  }
0xc4: {  	(tm) =	ssettm $0x7FFFFFFF  }
0xc5: {  	_ =	shalt  }
tec
execute0_lowered:
.L_overlay_start_1:
0x0: {  	(tag) =	ssettag $0x1  }
0x1: {  	s0 =	rddreg [dreg:$0x0]  }
0x2: {  	s2 =	rddreg [dreg:$0x2];
	s3 =	simm.s32 $0x0;
	s1 =	srdreg.scid  }
0x3: {  	s7 =	stileid.u32;
	s10 =	simm.s32 $0x9800;
	s11 =	simm.s32 $0x2  }
0x4: {  	s12 =	simm.s32 $0x8000;
	s13 =	simm.s32 $0x80;
	s14 =	simm.s32 $0x8D80  }
0x5: {  	s15 =	simm.s32 $0x8600;
	s16 =	simm.s32 $0x8E00;
	s17 =	simm.s32 $0x8680  }
0x6: {  	s18 =	simm.s32 $0x8E80;
	s19 =	simm.s32 $0x8700;
	s20 =	simm.s32 $0x8F00  }
0x7: {  	s21 =	simm.s32 $0x8780;
	s22 =	simm.s32 $0x8F80;
	s23 =	simm.s32 $0x1  }
0x8: {  	s24 =	simm.s32 $0x9000;
	[smem:$0x7FF] =	sst s3;
	s1 =	sand.u32 $0x1, s1  }
0x9: {  	s5 =	sadd.s32 $0x3200800, s0;
	s6 =	sadd.s32 $0x800, s0;
	s4 =	ssub.s32 $0x2, s1  }
0xa: {  	_ =	strace $0x80000047;
	s1 =	sshll.u32 s1, $0x4;
	s30 =	sshrl.u32 s4, $0x1  }
0xb: {  	[dreg:$0x4] =	wrdreg s6;
	s1 =	sor.u32 s7, s1;
	s31 =	ssub.s32 s4, s30  }
0xc: {  	v1 =	vlaneseq.u32;
	s7 =	sadd.s32 $0xA00, s0;
	s8 =	smul.u32 $0x19000, s1;
	s0 =	smax.u32 s31, $0x1  }
0xd: {  	v0 =	vimm.s32 $0x10;
	v1 =	vmul.u32 $0x10, v1;
	s1 =	simm.s32 $0x8580;
	s4 =	simm.s32 $0x0;
	[dreg:$0x5] =	wrdreg s0  }
.LBB2_1:
0xe: {  	[dreg:$0x6] =	wrdreg s4  }
0xf: {  	s0 =	rddreg [dreg:$0x4]  }
0x10: {  	[tilespmem:s10], [sflag:$0x2] =	stream.linear.gather [hbm4b:s0+s3], $0x80, $0x38;
	[tilespmem:$0x9880] =	vst v63  }
0x11: {  	_ =	swait.ge [sflag:s11], $0x80  }
0x12: {  	[sflag:s11] =	ssyncset.done $0x0  }
0x13: {  	s25 =	simm.s32 $0x0;
	[sflag:s11] =	ssyncadd.s32 $0xFFFFFF80  }
.LBB2_2:
0x14: {  	s0 =	sshll.u32 s25, $0xB  }
0x15: {  	s0 =	sadd.s32 s8, s0  }
0x16: {  	s26 =	sshll.u32 s0, $0x1  }
0x17: {  	s28 =	sadd.s32 s5, s26;
	s26 =	simm.s32 $0x0  }
0x18: {  	[tilespmem:s26], [sflag:$0x2] =	stream.linear.gather [hbm4b:s28+s26], $0x8000, $0x38;
	[tilespmem:$0x9880] =	vst v63  }
0x19: {  	_ =	swait.ge [sflag:s11], $0x8000  }
0x1a: {  	[sflag:s11] =	ssyncset.done $0x0  }
0x1b: {  	[sflag:s11] =	ssyncadd.s32 $0xFFFF8000  }
0x1c: {  	s28 =	sshrl.u32 s0, $0x3;
	s31 =	rddreg [dreg:$0x1]  }
0x1d: {  	s0 =	sadd.s32 s31, s28  }
0x1e: {  	[tilespmem:s12], [sflag:$0x2] =	stream.linear.gather [hbm4b:s0+s26], $0x800, $0x38;
	[tilespmem:$0x9880] =	vst v63  }
0x1f: {  	_ =	swait.ge [sflag:s11], $0x800  }
0x20: {  	[sflag:s11] =	ssyncset.done $0x0  }
0x21: {  	s4 =	simm.s32 $0x8800;
	[sflag:s11] =	ssyncadd.s32 $0xFFFFF800  }
0x22: {  	[tilespmem:s4], [sflag:$0x1] =	stream.indirect.gather [hbm4b:s2+s13], $0x1, s12, s13, $0xb8;
	[tilespmem:$0x9880] =	vst v63  }
0x23: {  	s6 =	simm.s32 $0x8080;
	s4 =	simm.s32 $0x8880  }
0x24: {  	[tilespmem:s4], [sflag:$0x1] =	stream.indirect.gather [hbm4b:s2+s13], $0x1, s6, s13, $0xb8;
	[tilespmem:$0x9880] =	vst v63  }
0x25: {  	s9 =	simm.s32 $0x8100;
	s31 =	simm.s32 $0x8900  }
0x26: {  	[tilespmem:s31], [sflag:$0x1] =	stream.indirect.gather [hbm4b:s2+s13], $0x1, s9, s13, $0xb8;
	[tilespmem:$0x9880] =	vst v63  }
0x27: {  	s4 =	simm.s32 $0x8180;
	s6 =	simm.s32 $0x8980  }
0x28: {  	[tilespmem:s6], [sflag:$0x1] =	stream.indirect.gather [hbm4b:s2+s13], $0x1, s4, s13, $0xb8;
	[tilespmem:$0x9880] =	vst v63  }
0x29: {  	s9 =	simm.s32 $0x8200;
	s31 =	simm.s32 $0x8A00  }
0x2a: {  	[tilespmem:s31], [sflag:$0x1] =	stream.indirect.gather [hbm4b:s2+s13], $0x1, s9, s13, $0xb8;
	[tilespmem:$0x9880] =	vst v63  }
0x2b: {  	s4 =	simm.s32 $0x8280;
	s6 =	simm.s32 $0x8A80  }
0x2c: {  	[tilespmem:s6], [sflag:$0x1] =	stream.indirect.gather [hbm4b:s2+s13], $0x1, s4, s13, $0xb8;
	[tilespmem:$0x9880] =	vst v63  }
0x2d: {  	s9 =	simm.s32 $0x8300;
	s31 =	simm.s32 $0x8B00  }
0x2e: {  	[tilespmem:s31], [sflag:$0x1] =	stream.indirect.gather [hbm4b:s2+s13], $0x1, s9, s13, $0xb8;
	[tilespmem:$0x9880] =	vst v63  }
0x2f: {  	s4 =	simm.s32 $0x8380;
	s6 =	simm.s32 $0x8B80  }
0x30: {  	[tilespmem:s6], [sflag:$0x1] =	stream.indirect.gather [hbm4b:s2+s13], $0x1, s4, s13, $0xb8;
	[tilespmem:$0x9880] =	vst v63  }
0x31: {  	s9 =	simm.s32 $0x8400;
	s31 =	simm.s32 $0x8C00  }
0x32: {  	[tilespmem:s31], [sflag:$0x1] =	stream.indirect.gather [hbm4b:s2+s13], $0x1, s9, s13, $0xb8;
	[tilespmem:$0x9880] =	vst v63  }
0x33: {  	s4 =	simm.s32 $0x8480;
	s6 =	simm.s32 $0x8C80  }
0x34: {  	[tilespmem:s6], [sflag:$0x1] =	stream.indirect.gather [hbm4b:s2+s13], $0x1, s4, s13, $0xb8;
	[tilespmem:$0x9880] =	vst v63  }
0x35: {  	s9 =	simm.s32 $0x8500;
	s31 =	simm.s32 $0x8D00  }
0x36: {  	[tilespmem:s31], [sflag:$0x1] =	stream.indirect.gather [hbm4b:s2+s13], $0x1, s9, s13, $0xb8;
	[tilespmem:$0x9880] =	vst v63  }
0x37: {  	_ = 	snop  }
0x38: {  	[tilespmem:s14], [sflag:$0x1] =	stream.indirect.gather [hbm4b:s2+s13], $0x1, s1, s13, $0xb8;
	[tilespmem:$0x9880] =	vst v63  }
0x39: {  	_ = 	snop  }
0x3a: {  	[tilespmem:s16], [sflag:$0x1] =	stream.indirect.gather [hbm4b:s2+s13], $0x1, s15, s13, $0xb8;
	[tilespmem:$0x9880] =	vst v63  }
0x3b: {  	_ = 	snop  }
0x3c: {  	[tilespmem:s18], [sflag:$0x1] =	stream.indirect.gather [hbm4b:s2+s13], $0x1, s17, s13, $0xb8;
	[tilespmem:$0x9880] =	vst v63  }
0x3d: {  	_ = 	snop  }
0x3e: {  	[tilespmem:s20], [sflag:$0x1] =	stream.indirect.gather [hbm4b:s2+s13], $0x1, s19, s13, $0xb8;
	[tilespmem:$0x9880] =	vst v63  }
0x3f: {  	_ = 	snop  }
0x40: {  	[tilespmem:s22], [sflag:$0x1] =	stream.indirect.gather [hbm4b:s2+s13], $0x1, s21, s13, $0xb8;
	[tilespmem:$0x9880] =	vst v63  }
0x41: {  	_ =	swait.ge [sflag:s23], $0x80  }
0x42: {  	[sflag:s23] =	ssyncset.done $0x0  }
0x43: {  	[sflag:s23] =	ssyncadd.s32 $0xFFFFFF80  }
0x44: {  	_ =	swait.ge [sflag:s23], $0x80  }
0x45: {  	[sflag:s23] =	ssyncset.done $0x0  }
0x46: {  	[sflag:s23] =	ssyncadd.s32 $0xFFFFFF80  }
0x47: {  	_ =	swait.ge [sflag:s23], $0x80  }
0x48: {  	[sflag:s23] =	ssyncset.done $0x0  }
0x49: {  	[sflag:s23] =	ssyncadd.s32 $0xFFFFFF80  }
0x4a: {  	_ =	swait.ge [sflag:s23], $0x80  }
0x4b: {  	[sflag:s23] =	ssyncset.done $0x0  }
0x4c: {  	[sflag:s23] =	ssyncadd.s32 $0xFFFFFF80  }
0x4d: {  	_ =	swait.ge [sflag:s23], $0x80  }
0x4e: {  	[sflag:s23] =	ssyncset.done $0x0  }
0x4f: {  	[sflag:s23] =	ssyncadd.s32 $0xFFFFFF80  }
0x50: {  	_ =	swait.ge [sflag:s23], $0x80  }
0x51: {  	[sflag:s23] =	ssyncset.done $0x0  }
0x52: {  	[sflag:s23] =	ssyncadd.s32 $0xFFFFFF80  }
0x53: {  	_ =	swait.ge [sflag:s23], $0x80  }
0x54: {  	[sflag:s23] =	ssyncset.done $0x0  }
0x55: {  	[sflag:s23] =	ssyncadd.s32 $0xFFFFFF80  }
0x56: {  	_ =	swait.ge [sflag:s23], $0x80  }
0x57: {  	[sflag:s23] =	ssyncset.done $0x0  }
0x58: {  	[sflag:s23] =	ssyncadd.s32 $0xFFFFFF80  }
0x59: {  	_ =	swait.ge [sflag:s23], $0x80  }
0x5a: {  	[sflag:s23] =	ssyncset.done $0x0  }
0x5b: {  	[sflag:s23] =	ssyncadd.s32 $0xFFFFFF80  }
0x5c: {  	_ =	swait.ge [sflag:s23], $0x80  }
0x5d: {  	[sflag:s23] =	ssyncset.done $0x0  }
0x5e: {  	[sflag:s23] =	ssyncadd.s32 $0xFFFFFF80  }
0x5f: {  	_ =	swait.ge [sflag:s23], $0x80  }
0x60: {  	[sflag:s23] =	ssyncset.done $0x0  }
0x61: {  	[sflag:s23] =	ssyncadd.s32 $0xFFFFFF80  }
0x62: {  	_ =	swait.ge [sflag:s23], $0x80  }
0x63: {  	[sflag:s23] =	ssyncset.done $0x0  }
0x64: {  	[sflag:s23] =	ssyncadd.s32 $0xFFFFFF80  }
0x65: {  	_ =	swait.ge [sflag:s23], $0x80  }
0x66: {  	[sflag:s23] =	ssyncset.done $0x0  }
0x67: {  	[sflag:s23] =	ssyncadd.s32 $0xFFFFFF80  }
0x68: {  	_ =	swait.ge [sflag:s23], $0x80  }
0x69: {  	[sflag:s23] =	ssyncset.done $0x0  }
0x6a: {  	[sflag:s23] =	ssyncadd.s32 $0xFFFFFF80  }
0x6b: {  	_ =	swait.ge [sflag:s23], $0x80  }
0x6c: {  	[sflag:s23] =	ssyncset.done $0x0  }
0x6d: {  	[sflag:s23] =	ssyncadd.s32 $0xFFFFFF80  }
0x6e: {  	_ =	swait.ge [sflag:s23], $0x80  }
0x6f: {  	[sflag:s23] =	ssyncset.done $0x0  }
0x70: {  	s29 =	simm.s32 $0x0;
	s30 =	simm.s32 $0x0;
	[sflag:s23] =	ssyncadd.s32 $0xFFFFFF80  }
.LBB2_3:
0x71: {  	v2 =	vmov s26;
	s0 =	sadd.s32 $0x0, s29;
	s31 =	simm.s32 $0x1  }
0x72: {  	v2 =	vand.u32 $0xFFFFFFFC, v2;
	v4 =	vmov s31;
	s31 =	sadd.s32 $0x1, s0  }
0x73: {  	v3 =	vor.u32 s0, v1;
	v2 =	vbroadcast v2, $0x0;
	v6 =	vor.u32 s31, v1;
	s31 =	sadd.s32 $0x2, s0  }
0x74: {  	v4 =	vand.u32 $0xFFFFFFFD, v4;
	v12 =	vor.u32 s31, v1;
	s31 =	simm.s32 $0x2  }
0x75: {  	v4 =	vbroadcast v4, $0x0;
	v8 =	vmov s31  }
0x76: {  	v8 =	vand.u32 $0xFFFFFFFE, v8  }
0x77: {  	v5 =	vld.idx.msk [tilespmem:v0+s10+$0x0], $0xffff;
	v9 =	vbroadcast v8, $0x0  }
0x78: {  	s4 =	simm.s32 $0x3;
	v3 =	vld.idx.msk [tilespmem:v3+s3+$0x0], $0xffff  }
0x79: {  	v10 =	vmov s4;
	s0 =	sadd.s32 $0x3, s0;
	v7 =	vld.idx.msk [tilespmem:v2+s10+$0x0], $0xffff  }
0x7a: {  	v8 =	vor.u32 s0, v1;
	v2 =	vld.idx.msk [tilespmem:v6+s3+$0x0], $0xffff  }
0x7b: {  	s31 =	simm.s32 $0x4;
	v6 =	vld.idx.msk [tilespmem:v4+s10+$0x0], $0xffff  }
0x7c: {  	v11 =	vmov s31;
	s0 =	simm.s32 $0x8;
	v4 =	vld.idx.msk [tilespmem:v12+s3+$0x0], $0xffff  }
.LBB2_4:
0x7d: {  	p0 =	sne.s32 s0, $0xC;
	s4 =	sadd.s32 s31, s29;
	v11 =	vand.u32 $0xFFFFFFFC, v11;
	s6 =	sadd.s32 $0x1, s31;
	v12 =	vld.idx.msk [tilespmem:v9+s10+$0x0], $0xffff  }
0x7e: {  	v13 =	vor.u32 s4, v1;
	v11 =	vbroadcast v11, $0x0;
	v9 =	vmov s6;
	v14 =	vld.idx.msk [tilespmem:v10+s10+$0x0], $0xffff  }
0x7f: {  	s9 =	sadd.s32 $0x2, s31;
	s6 =	sadd.s32 $0x1, s4;
	v3 =	vmul.f32 v7, v3;
	v9 =	vand.u32 $0xFFFFFFFD, v9;
	v15 =	vld.idx.msk [tilespmem:v8+s3+$0x0], $0xffff  }
0x80: {  	v7 =	vmov s9;
	v8 =	vor.u32 s6, v1;
	v16 =	vbroadcast v9, $0x0  }
0x81: {  	s6 =	sadd.s32 $0x2, s4;
	v7 =	vand.u32 $0xFFFFFFFE, v7;
	v5 =	vadd.f32 v3, v5;
	v2 =	vmul.f32 v6, v2  }
0x82: {  	v17 =	vor.u32 s6, v1;
	v9 =	vbroadcast v7, $0x0  }
.Ltmp0:
0x83: {  	s6 =	sadd.s32 $0x3, s31;
	s31 =	smov.u32 s0;
	v5 =	vadd.f32 v2, v5;
	v4 =	vmul.f32 v12, v4;
	v3 =	vld.idx.msk [tilespmem:v13+s3+$0x0], $0xffff;
	(pc) =	sbr.rel @p0 .LBB2_4-.Ltmp0, $4  }
0x84: {  	s4 =	sadd.s32 $0x3, s4;
	v10 =	vmov s6;
	v7 =	vld.idx.msk [tilespmem:v11+s10+$0x0], $0xffff  }
0x85: {  	v5 =	vadd.f32 v4, v5;
	v12 =	vmul.f32 v14, v15;
	v2 =	vld.idx.msk [tilespmem:v8+s3+$0x0], $0xffff;
	v8 =	vor.u32 s4, v1  }
0x86: {  	v6 =	vld.idx.msk [tilespmem:v16+s10+$0x0], $0xffff  }
0x87: {  	s0 =	sadd.s32 $0x4, s0;
	v11 =	vmov s31;
	v5 =	vadd.f32 v12, v5;
	v4 =	vld.idx.msk [tilespmem:v17+s3+$0x0], $0xffff  }
0x88: {  	_ = 	snop  }
0x89: {  	s0 =	sadd.s32 s31, s29;
	v11 =	vand.u32 $0xFFFFFFFC, v11;
	s4 =	sadd.s32 $0x1, s31  }
0x8a: {  	v12 =	vor.u32 s0, v1;
	v11 =	vbroadcast v11, $0x0;
	v13 =	vmov s4  }
0x8b: {  	s6 =	sadd.s32 $0x2, s31;
	s9 =	sadd.s32 $0x1, s0;
	v13 =	vand.u32 $0xFFFFFFFD, v13  }
0x8c: {  	v9 =	vld.idx.msk [tilespmem:v9+s10+$0x0], $0xffff;
	v15 =	vmov s6;
	v14 =	vor.u32 s9, v1;
	v13 =	vbroadcast v13, $0x0  }
0x8d: {  	v10 =	vld.idx.msk [tilespmem:v10+s10+$0x0], $0xffff;
	v3 =	vmul.f32 v7, v3;
	s6 =	sadd.s32 $0x2, s0;
	v53 =	vand.u32 $0xFFFFFFFE, v15  }
0x8e: {  	v8 =	vld.idx.msk [tilespmem:v8+s3+$0x0], $0xffff;
	v54 =	vor.u32 s6, v1;
	v7 =	vbroadcast v53, $0x0  }
0x8f: {  	s0 =	sadd.s32 $0x3, s0;
	v3 =	vadd.f32 v3, v5;
	v2 =	vmul.f32 v6, v2;
	v55 =	vld.idx.msk [tilespmem:v12+s3+$0x0], $0xffff  }
0x90: {  	s9 =	sadd.s32 $0x3, s31;
	v59 =	vor.u32 s0, v1;
	v56 =	vld.idx.msk [tilespmem:v11+s10+$0x0], $0xffff  }
0x91: {  	v57 =	vmov s9;
	v2 =	vadd.f32 v2, v3;
	v3 =	vmul.f32 v9, v4;
	v58 =	vld.idx.msk [tilespmem:v14+s3+$0x0], $0xffff  }
0x92: {  	v60 =	vld.idx.msk [tilespmem:v13+s10+$0x0], $0xffff  }
0x93: {  	v2 =	vadd.f32 v3, v2;
	v3 =	vmul.f32 v10, v8;
	v61 =	vld.idx.msk [tilespmem:v54+s3+$0x0], $0xffff  }
0x94: {  	v7 =	vld.idx.msk [tilespmem:v7+s10+$0x0], $0xffff  }
0x95: {  	v62 =	vld.idx.msk [tilespmem:v59+s3+$0x0], $0xffff;
	v2 =	vadd.f32 v3, v2;
	v5 =	vmul.f32 v56, v55  }
0x96: {  	v3 =	vld.idx.msk [tilespmem:v57+s10+$0x0], $0xffff  }
0x97: {  	v2 =	vadd.f32 v5, v2;
	v4 =	vmul.f32 v60, v58;
	_ =	sdelay $0x1  }
0x98: {  	v63 =	vmul.f32 v7, v61;
	v2 =	vadd.f32 v4, v2;
	_ =	sdelay $0x1  }
0x99: {  	v3 =	vmul.f32 v3, v62;
	v2 =	vadd.f32 v63, v2;
	_ =	sdelay $0x1  }
0x9a: {  	v2 =	vadd.f32 v3, v2;
	_ =	sdelay $0x1  }
0x9b: {  	v2 =	vmul.f32 $1.442695020e+00, v2;
	_ =	sdelay $0x1  }
0x9c: {  	(erf) = vpow2.f32 v2;
	_ =	sdelay $0x3  }
0x9d: {  	s31 =	sshll.u32 s30, $0x4  }
0x9e: {  	v2 =	vld [tilespmem:s31+$0x8800]  }
0x9f: {  	s30 =	sadd.s32 $0x1, s30  }
0xa0: {  	p0 =	sne.s32 s30, $0x80  }
.Ltmp1:
0xa1: {  	_ = 	snop;
	(pc) =	sbr.rel @p0 .LBB2_3-.Ltmp1, $3  }
0xa2: {  	v3 =	vpop (erf)  }
0xa3: {  	v2 =	vmul.f32 v2, v3;
	_ =	sdelay $0x1  }
0xa4: {  	s29 =	sadd.s32 $0x100, s29;
	[tilespmem:s31+$0x9000] =	vst v2  }
0xa5: {  	s25 =	sadd.s32 $0x1, s25  }
0xa6: {  	p0 =	sne.s32 s25, $0x32  }
.Ltmp2:
0xa7: {  	s0 =	sadd.s32 s7, s28;
	(pc) =	sbr.rel @p0 .LBB2_2-.Ltmp2, $4  }
0xa8: {  	[hbm4b:s0+s3] =	stream.linear.scatter [tilespmem:s24], [sflag:$0x2], $0x800, $0x38;
	[tilespmem:$0x9880] =	vst v63  }
0xa9: {  	_ =	swait.ge [sflag:s11], $0x800  }
0xaa: {  	[sflag:s11] =	ssyncset.done $0x0  }
0xab: {  	[sflag:s11] =	ssyncadd.s32 $0xFFFFF800  }
0xac: {  	s4 =	rddreg [dreg:$0x6]  }
0xad: {  	s0 =	rddreg [dreg:$0x5];
	s4 =	sadd.s32 $0x1, s4  }
0xae: {  	p0 =	sne.s32 s4, s0  }
.Ltmp3:
0xaf: {  	_ = 	snop;
	(pc) =	sbr.rel @p0 .LBB2_1-.Ltmp3, $1  }
0xb0: {  	_ =	sdelay $0x3  }
0xb1: {  	_ =	sfence.sel $0x180000  }
0xb2: {  	[bflag:$0x0] =	sbarrier.arrive $0xFFFF  }
0xb3: {  	_ =	strace $0x90000047  }
0xb4: {  	s0 =	stileid.u32;
	[bflag:$0x2] =	sbarrier.arrive $0xFFFF  }
0xb5: {  	p0 =	sne.s32 s0, $0x0;
	s0 =	rddreg [dreg:$0x3]  }
0xb6: {  	s0 =	sadd.s32 @!p0 $0x100000, s0  }
0xb7: {  	[sflag:s0] =	ssyncadd.tile.s32 @!p0 $0x1;
	_ =	shalt  }
.Lfunc_end2:
_tile_overlayer_lowered:
.L_overlay_start_2:
0xb8: {  	(tag) =	ssettag $0x2  }
0xb9: {  	s0 =	rddreg [dreg:$0x0];
	s2 =	stileid.u32  }
0xba: {  	s1 =	rddreg [dreg:$0x1];
	p0 =	sne.s32 s2, $0x0  }
0xbb: {  	s3 =	rddreg [dreg:$0x2];
	[bflag:$0x3] =	sbarrier.arrive $0xFFFF;
	s2 =	simm.s32 @!p0 $0x1C02  }
0xbc: {  	[timem:s3], [sflag:s2] =	dma.local @!p0 [hbm:s0], s1  }
0xbd: {  	s0 =	simm.s32 @!p0 $0x2  }
0xbe: {  	_ =	swait.ge @!p0 [sflag:s0], s1  }
0xbf: {  	s1 =	ssub.s32 @!p0 $0x0, s1;
	[sflag:s0] =	ssyncset.done @!p0 $0x0  }
0xc0: {  	[sflag:s0] =	ssyncadd.s32 @!p0 s1  }
0xc1: {  	[bflag:$0x3] =	sbarrier.arrive $0xFFFF  }
0xc2: {  	_ =	shalt  }

</sc_bundles>
